<compile_context>
chip_gen: v7x
topology: tpu7x:2x2x1
jax: 0.10.2.dev20260603
libtpu: 0.0.44.dev20260713+nightly
codegen_flags: <defaults>
</compile_context>

<pallas_src>
import functools

import jax
import jax.numpy as jnp
from jax import lax
from jax.experimental import pallas as pl
from jax.experimental.pallas import tpu as pltpu
from jax.experimental.pallas import tpu_sc as plsc

B, C, T = 8, 512, 1024
D, K = 256, 8192

KC = 512
NKC = K // KC

_NC, _NS = 2, 16
_NW = _NC * _NS
_GCH = 128
_CPW = (B * T) // (_NW * _GCH)


def _encode_argmin_body(x_ref, we_ref, be_ref, cb_ref, idx_ref, mind_ref, cn_ref):
    @pl.when(pl.program_id(0) == 0)
    def _():
        cn_ref[...] = jnp.sum(cb_ref[...] * cb_ref[...], axis=1, keepdims=True)

    xb = x_ref[0]
    z = lax.dot_general(we_ref[...], xb, (((1,), (0,)), ((), ())))
    z = z + be_ref[...]
    z2 = z + z
    znorm = jnp.sum(z * z, axis=0, keepdims=True)
    run_min = jnp.full((1, T), jnp.inf, dtype=jnp.float32)
    run_idx = jnp.zeros((1, T), dtype=jnp.int32)
    for kc in range(NKC):
        cbc = cb_ref[kc * KC:(kc + 1) * KC, :]
        mm = lax.dot_general(cbc, z2, (((1,), (0,)), ((), ())))
        cnorm = cn_ref[kc * KC:(kc + 1) * KC, :]
        s = cnorm - mm
        cmin = jnp.min(s, axis=0, keepdims=True)
        cidx = jnp.argmin(s, axis=0).reshape(1, T)
        better = cmin < run_min
        run_idx = jnp.where(better, cidx + kc * KC, run_idx)
        run_min = jnp.where(better, cmin, run_min)
    idx_ref[0] = run_idx
    mind_ref[0] = run_min + znorm


def _make_encode_argmin(nb):
    return pl.pallas_call(
        _encode_argmin_body,
        grid=(nb,),
        in_specs=[
            pl.BlockSpec((1, C, T), lambda b: (b, 0, 0)),
            pl.BlockSpec((D, C), lambda b: (0, 0)),
            pl.BlockSpec((D, 1), lambda b: (0, 0)),
            pl.BlockSpec((K, D), lambda b: (0, 0)),
        ],
        out_specs=[
            pl.BlockSpec((1, 1, T), lambda b: (b, 0, 0)),
            pl.BlockSpec((1, 1, T), lambda b: (b, 0, 0)),
        ],
        out_shape=[
            jax.ShapeDtypeStruct((nb, 1, T), jnp.int32),
            jax.ShapeDtypeStruct((nb, 1, T), jnp.float32),
        ],
        scratch_shapes=[pltpu.VMEM((K, 1), jnp.float32)],
    )


def _decode_body(q_ref, wd_ref, bd_ref, out_ref):
    r = lax.dot_general(wd_ref[...], q_ref[...], (((1,), (1,)), ((), ())))
    out_ref[0] = r + bd_ref[...]


def _make_decode(nb):
    return pl.pallas_call(
        _decode_body,
        grid=(nb,),
        in_specs=[
            pl.BlockSpec((T, D), lambda b: (b, 0)),
            pl.BlockSpec((C, D), lambda b: (0, 0)),
            pl.BlockSpec((C, 1), lambda b: (0, 0)),
        ],
        out_specs=pl.BlockSpec((1, C, T), lambda b: (b, 0, 0)),
        out_shape=jax.ShapeDtypeStruct((nb, C, T), jnp.float32),
    )


def _gather_rows_sc(codebook, idx_flat, ntok):
    cpw = ntok // (_NW * _GCH)
    idx2 = idx_flat.reshape(_NW * cpw, _GCH)
    mesh = plsc.VectorSubcoreMesh(core_axis_name="c", subcore_axis_name="s")

    @functools.partial(
        pl.kernel,
        mesh=mesh,
        out_type=jax.ShapeDtypeStruct((ntok, D), jnp.float32),
        scratch_types=[
            pltpu.VMEM((cpw, _GCH), jnp.int32),
            pltpu.VMEM((cpw, _GCH, D), jnp.float32),
            pltpu.SemaphoreType.DMA,
            pltpu.SemaphoreType.DMA,
        ],
    )
    def k(table_hbm, idx_hbm, out_hbm, idx_v, rows_v, gs, so):
        wid = lax.axis_index("s") * _NC + lax.axis_index("c")
        r0 = wid * cpw
        pltpu.sync_copy(idx_hbm.at[pl.ds(r0, cpw)], idx_v)
        cps = [pltpu.async_copy(table_hbm.at[idx_v.at[j]], rows_v.at[j], gs)
               for j in range(cpw)]
        sts = []
        for j in range(cpw):
            cps[j].wait()
            sts.append(pltpu.async_copy(
                rows_v.at[j], out_hbm.at[pl.ds((r0 + j) * _GCH, _GCH)], so))
        for st in sts:
            st.wait()

    return k(codebook, idx2)


_enc_full = _make_encode_argmin(B)
_dec_full = _make_decode(B)


def kernel(x, W_e, b_e, codebook, W_d, b_d):
    idx3, mind = _enc_full(x, W_e, b_e.reshape(D, 1), codebook)
    indices = idx3.reshape(B, T)
    quant = _gather_rows_sc(codebook, indices.reshape(-1), B * T)
    recon = _dec_full(quant, W_d, b_d.reshape(C, 1))
    commit_loss = jnp.sum(mind) / (B * T * D)
    return (recon, indices, commit_loss)

# --- scband reference (transcript-rebuilt; emitter-appended) ---
"""Pipeline reference for scband-vqvae-52733608460736 (READ-ONLY COPY).

The authoritative reference and input builder live on the scoring server;
editing this copy changes nothing except your own understanding.
"""

import jax, jax.numpy as jnp
import numpy as np

B, C, T = 8, 512, 1024
D, K = 256, 8192

def setup_inputs(seed: int = 0) -> dict:
    key = jax.random.key(seed)
    ks = jax.random.split(key, 6)
    x = jax.random.normal(ks[0], (B, C, T), dtype=jnp.float32)
    W_e = jax.random.normal(ks[1], (D, C), dtype=jnp.float32) * (1.0 / np.sqrt(C))
    b_e = jnp.zeros((D,), dtype=jnp.float32)
    codebook = jax.random.normal(ks[2], (K, D), dtype=jnp.float32)
    W_d = jax.random.normal(ks[3], (C, D), dtype=jnp.float32) * (1.0 / np.sqrt(D))
    b_d = jnp.zeros((C,), dtype=jnp.float32)
    return {"x": x, "W_e": W_e, "b_e": b_e, "codebook": codebook, "W_d": W_d, "b_d": b_d}

def reference(x, W_e, b_e, codebook, W_d, b_d):
    # encoder: Conv1d kernel_size=1 == pointwise linear over channel dim
    z = jnp.einsum('bct,dc->bdt', x, W_e) + b_e[None, :, None]
    # permute(0, 2, 1) -> [B, T, D]
    z = jnp.transpose(z, (0, 2, 1))
    flat = z.reshape(-1, z.shape[-1])  # [B*T, D]
    # euclidean distances to codebook entries
    d2 = (jnp.sum(flat ** 2, axis=1, keepdims=True)
          - 2.0 * flat @ codebook.T
          + jnp.sum(codebook ** 2, axis=1)[None, :])
    indices = jnp.argmin(d2, axis=1)
    quant = jnp.take(codebook, indices, axis=0).reshape(z.shape)
    # commitment loss (commitment_weight = 1.0); codebook updated via EMA (no grad)
    commit_loss = jnp.mean((jax.lax.stop_gradient(quant) - z) ** 2) * 1.0
    # straight-through estimator
    quant_st = z + jax.lax.stop_gradient(quant - z)
    # permute back -> [B, D, T]
    q = jnp.transpose(quant_st, (0, 2, 1))
    # decoder: Conv1d kernel_size=1
    recon = jnp.einsum('bdt,cd->bct', q, W_d) + b_d[None, :, None]
    return (recon, indices.reshape(B, T), commit_loss)

if __name__ == "__main__":
    import jax
    _d = setup_inputs()
    print(jax.jit(kernel)(*tuple(_d.values())))

</pallas_src>

<mosaic_0001>
#map = affine_map<(d0, d1) -> (0, 0)>
module attributes {stable_mosaic.version = 14 : i64} {
  func.func @k(%arg0: i32, %arg1: i32, %arg2: memref<8192x256xf32, #tpu.memory_space<hbm>>, %arg3: memref<64x128xi32, #tpu.memory_space<hbm>>, %arg4: memref<8192x256xf32, #tpu.memory_space<hbm>>, %arg5: memref<2x128xi32, #tpu.memory_space<vmem>>, %arg6: memref<2x128x256xf32, #tpu.memory_space<vmem>>, %arg7: memref<!tpu.dma_semaphore, #tpu.memory_space<semaphore_mem>>, %arg8: memref<!tpu.dma_semaphore, #tpu.memory_space<semaphore_mem>>) attributes {dimension_semantics = [#tpu.dimension_semantics<core_parallel>, #tpu.dimension_semantics<subcore_parallel>], iteration_bounds = array<i64: 2, 16>, scalar_prefetch = 0 : i64, scratch_operands = 4 : i64, tpu.core_type = #tpu.core_type<sc_vector_subcore>, window_params = [{transform_indices = #map}, {transform_indices = #map}, {transform_indices = #map}]} {
    %mul3A = arith.constant 2 : i32
    %mul3A_0 = arith.muli %arg1, %mul3A : i32
    %add3A = arith.addi %mul3A_0, %arg0 : i32
    %mul3A_1 = arith.constant 2 : i32
    %mul3A_2 = arith.muli %add3A, %mul3A_1 : i32
    "tpu.region"() ({
      %run_scoped3A = tpu.sem_alloc : memref<!tpu.dma_semaphore, #tpu.memory_space<semaphore_mem>>
      %dma_start3A_109 = arith.constant 0 : i32
      %dma_start3A_110 = tpu.memref_slice %arg3[%mul3A_2, %dma_start3A_109] : memref<64x128xi32, #tpu.memory_space<hbm>> -> memref<2x128xi32, #tpu.memory_space<hbm>>
      %dma_start3A_111 = arith.constant 0 : i32
      %dma_start3A_112 = tpu.memref_slice %arg3[%mul3A_2, %dma_start3A_111] : memref<64x128xi32, #tpu.memory_space<hbm>> -> memref<2x128xi32, #tpu.memory_space<hbm>>
      tpu.enqueue_dma source(%dma_start3A_112 : memref<2x128xi32, #tpu.memory_space<hbm>>) target(%arg5 : memref<2x128xi32, #tpu.memory_space<vmem>>) target_semaphore(%run_scoped3A : memref<!tpu.dma_semaphore, #tpu.memory_space<semaphore_mem>>)
      %dma_wait3A_113 = arith.constant 0 : i32
      %dma_wait3A_114 = tpu.memref_slice %arg3[%mul3A_2, %dma_wait3A_113] : memref<64x128xi32, #tpu.memory_space<hbm>> -> memref<2x128xi32, #tpu.memory_space<hbm>>
      %dma_wait3A_115 = arith.constant 0 : i32
      %dma_wait3A_116 = tpu.memref_slice %arg3[%mul3A_2, %dma_wait3A_115] : memref<64x128xi32, #tpu.memory_space<hbm>> -> memref<2x128xi32, #tpu.memory_space<hbm>>
      tpu.wait_dma2 semaphore(%run_scoped3A : memref<!tpu.dma_semaphore, #tpu.memory_space<semaphore_mem>>) src(%dma_wait3A_116 : memref<2x128xi32, #tpu.memory_space<hbm>>) dst(%arg5 : memref<2x128xi32, #tpu.memory_space<vmem>>)
      tpu.yield
    }) : () -> ()
    %dma_start3A = arith.constant 0 : i32
    %dma_start3A_3 = arith.constant 0 : i32
    %dma_start3A_4 = arith.constant 0 : i32
    %dma_start3A_5 = arith.constant 0 : i32
    %dma_start3A_6 = tpu.memref_slice %arg6[%dma_start3A_3, %dma_start3A_4, %dma_start3A_5] : memref<2x128x256xf32, #tpu.memory_space<vmem>> -> memref<1x128x256xf32, #tpu.memory_space<vmem>>
    %dma_start3A_7 = tpu.memref_squeeze %dma_start3A_6 : memref<1x128x256xf32, #tpu.memory_space<vmem>> -> memref<128x256xf32, #tpu.memory_space<vmem>>
    %dma_start3A_8 = arith.constant 0 : i32
    %dma_start3A_9 = tpu.memref_slice %arg5[%dma_start3A, %dma_start3A_8] : memref<2x128xi32, #tpu.memory_space<vmem>> -> memref<1x128xi32, #tpu.memory_space<vmem>>
    %dma_start3A_10 = tpu.memref_squeeze %dma_start3A_9 : memref<1x128xi32, #tpu.memory_space<vmem>> -> memref<128xi32, #tpu.memory_space<vmem>>
    %dma_start3A_11 = arith.constant 0 : i32
    %dma_start3A_12 = arith.constant 0 : i32
    %dma_start3A_13 = tpu.memref_slice %arg2[%dma_start3A_11, %dma_start3A_12] : memref<8192x256xf32, #tpu.memory_space<hbm>> -> memref<8192x256xf32, #tpu.memory_space<hbm>>
    tpu.enqueue_indirect_dma source(%dma_start3A_13 : memref<8192x256xf32, #tpu.memory_space<hbm>>) target(%dma_start3A_7 : memref<128x256xf32, #tpu.memory_space<vmem>>) offsets(%dma_start3A_10 : memref<128xi32, #tpu.memory_space<vmem>>) semaphore(%arg7 : memref<!tpu.dma_semaphore, #tpu.memory_space<semaphore_mem>>)
    %dma_start3A_14 = arith.constant 1 : i32
    %dma_start3A_15 = arith.constant 1 : i32
    %dma_start3A_16 = arith.constant 0 : i32
    %dma_start3A_17 = arith.constant 0 : i32
    %dma_start3A_18 = tpu.memref_slice %arg6[%dma_start3A_15, %dma_start3A_16, %dma_start3A_17] : memref<2x128x256xf32, #tpu.memory_space<vmem>> -> memref<1x128x256xf32, #tpu.memory_space<vmem>>
    %dma_start3A_19 = tpu.memref_squeeze %dma_start3A_18 : memref<1x128x256xf32, #tpu.memory_space<vmem>> -> memref<128x256xf32, #tpu.memory_space<vmem>>
    %dma_start3A_20 = arith.constant 0 : i32
    %dma_start3A_21 = tpu.memref_slice %arg5[%dma_start3A_14, %dma_start3A_20] : memref<2x128xi32, #tpu.memory_space<vmem>> -> memref<1x128xi32, #tpu.memory_space<vmem>>
    %dma_start3A_22 = tpu.memref_squeeze %dma_start3A_21 : memref<1x128xi32, #tpu.memory_space<vmem>> -> memref<128xi32, #tpu.memory_space<vmem>>
    %dma_start3A_23 = arith.constant 0 : i32
    %dma_start3A_24 = arith.constant 0 : i32
    %dma_start3A_25 = tpu.memref_slice %arg2[%dma_start3A_23, %dma_start3A_24] : memref<8192x256xf32, #tpu.memory_space<hbm>> -> memref<8192x256xf32, #tpu.memory_space<hbm>>
    tpu.enqueue_indirect_dma source(%dma_start3A_25 : memref<8192x256xf32, #tpu.memory_space<hbm>>) target(%dma_start3A_19 : memref<128x256xf32, #tpu.memory_space<vmem>>) offsets(%dma_start3A_22 : memref<128xi32, #tpu.memory_space<vmem>>) semaphore(%arg7 : memref<!tpu.dma_semaphore, #tpu.memory_space<semaphore_mem>>)
    %dma_wait3A = arith.constant 0 : i32
    %dma_wait3A_26 = arith.constant 0 : i32
    %dma_wait3A_27 = arith.constant 0 : i32
    %dma_wait3A_28 = arith.constant 0 : i32
    %dma_wait3A_29 = tpu.memref_slice %arg6[%dma_wait3A_26, %dma_wait3A_27, %dma_wait3A_28] : memref<2x128x256xf32, #tpu.memory_space<vmem>> -> memref<1x128x256xf32, #tpu.memory_space<vmem>>
    %dma_wait3A_30 = tpu.memref_squeeze %dma_wait3A_29 : memref<1x128x256xf32, #tpu.memory_space<vmem>> -> memref<128x256xf32, #tpu.memory_space<vmem>>
    %dma_wait3A_31 = arith.constant 0 : i32
    %dma_wait3A_32 = tpu.memref_slice %arg5[%dma_wait3A, %dma_wait3A_31] : memref<2x128xi32, #tpu.memory_space<vmem>> -> memref<1x128xi32, #tpu.memory_space<vmem>>
    %dma_wait3A_33 = tpu.memref_squeeze %dma_wait3A_32 : memref<1x128xi32, #tpu.memory_space<vmem>> -> memref<128xi32, #tpu.memory_space<vmem>>
    %dma_wait3A_34 = arith.constant 0 : i32
    %dma_wait3A_35 = arith.constant 0 : i32
    %dma_wait3A_36 = tpu.memref_slice %arg2[%dma_wait3A_34, %dma_wait3A_35] : memref<8192x256xf32, #tpu.memory_space<hbm>> -> memref<8192x256xf32, #tpu.memory_space<hbm>>
    tpu.wait_indirect_dma semaphore(%arg7 : memref<!tpu.dma_semaphore, #tpu.memory_space<semaphore_mem>>) src(%dma_wait3A_36 : memref<8192x256xf32, #tpu.memory_space<hbm>>) dst(%dma_wait3A_30 : memref<128x256xf32, #tpu.memory_space<vmem>>)
    %add3A_37 = arith.constant 0 : i32
    %add3A_38 = arith.addi %mul3A_2, %add3A_37 : i32
    %mul3A_39 = arith.constant 128 : i32
    %mul3A_40 = arith.muli %add3A_38, %mul3A_39 : i32
    %dma_start3A_41 = arith.constant 0 : i32
    %dma_start3A_42 = arith.constant 0 : i32
    %dma_start3A_43 = arith.constant 0 : i32
    %dma_start3A_44 = tpu.memref_slice %arg6[%dma_start3A_41, %dma_start3A_42, %dma_start3A_43] : memref<2x128x256xf32, #tpu.memory_space<vmem>> -> memref<1x128x256xf32, #tpu.memory_space<vmem>>
    %dma_start3A_45 = tpu.memref_squeeze %dma_start3A_44 : memref<1x128x256xf32, #tpu.memory_space<vmem>> -> memref<128x256xf32, #tpu.memory_space<vmem>>
    %dma_start3A_46 = arith.constant 0 : i32
    %dma_start3A_47 = tpu.memref_slice %arg4[%mul3A_40, %dma_start3A_46] : memref<8192x256xf32, #tpu.memory_space<hbm>> -> memref<128x256xf32, #tpu.memory_space<hbm>>
    %dma_start3A_48 = arith.constant 0 : i32
    %dma_start3A_49 = tpu.memref_slice %arg4[%mul3A_40, %dma_start3A_48] : memref<8192x256xf32, #tpu.memory_space<hbm>> -> memref<128x256xf32, #tpu.memory_space<hbm>>
    %dma_start3A_50 = arith.constant 0 : i32
    %dma_start3A_51 = arith.constant 0 : i32
    %dma_start3A_52 = tpu.memref_slice %arg6[%dma_start3A_41, %dma_start3A_50, %dma_start3A_51] : memref<2x128x256xf32, #tpu.memory_space<vmem>> -> memref<1x128x256xf32, #tpu.memory_space<vmem>>
    %dma_start3A_53 = tpu.memref_squeeze %dma_start3A_52 : memref<1x128x256xf32, #tpu.memory_space<vmem>> -> memref<128x256xf32, #tpu.memory_space<vmem>>
    tpu.enqueue_dma source(%dma_start3A_53 : memref<128x256xf32, #tpu.memory_space<vmem>>) target(%dma_start3A_49 : memref<128x256xf32, #tpu.memory_space<hbm>>) target_semaphore(%arg8 : memref<!tpu.dma_semaphore, #tpu.memory_space<semaphore_mem>>)
    %dma_wait3A_54 = arith.constant 1 : i32
    %dma_wait3A_55 = arith.constant 1 : i32
    %dma_wait3A_56 = arith.constant 0 : i32
    %dma_wait3A_57 = arith.constant 0 : i32
    %dma_wait3A_58 = tpu.memref_slice %arg6[%dma_wait3A_55, %dma_wait3A_56, %dma_wait3A_57] : memref<2x128x256xf32, #tpu.memory_space<vmem>> -> memref<1x128x256xf32, #tpu.memory_space<vmem>>
    %dma_wait3A_59 = tpu.memref_squeeze %dma_wait3A_58 : memref<1x128x256xf32, #tpu.memory_space<vmem>> -> memref<128x256xf32, #tpu.memory_space<vmem>>
    %dma_wait3A_60 = arith.constant 0 : i32
    %dma_wait3A_61 = tpu.memref_slice %arg5[%dma_wait3A_54, %dma_wait3A_60] : memref<2x128xi32, #tpu.memory_space<vmem>> -> memref<1x128xi32, #tpu.memory_space<vmem>>
    %dma_wait3A_62 = tpu.memref_squeeze %dma_wait3A_61 : memref<1x128xi32, #tpu.memory_space<vmem>> -> memref<128xi32, #tpu.memory_space<vmem>>
    %dma_wait3A_63 = arith.constant 0 : i32
    %dma_wait3A_64 = arith.constant 0 : i32
    %dma_wait3A_65 = tpu.memref_slice %arg2[%dma_wait3A_63, %dma_wait3A_64] : memref<8192x256xf32, #tpu.memory_space<hbm>> -> memref<8192x256xf32, #tpu.memory_space<hbm>>
    tpu.wait_indirect_dma semaphore(%arg7 : memref<!tpu.dma_semaphore, #tpu.memory_space<semaphore_mem>>) src(%dma_wait3A_65 : memref<8192x256xf32, #tpu.memory_space<hbm>>) dst(%dma_wait3A_59 : memref<128x256xf32, #tpu.memory_space<vmem>>)
    %add3A_66 = arith.constant 1 : i32
    %add3A_67 = arith.addi %mul3A_2, %add3A_66 : i32
    %mul3A_68 = arith.constant 128 : i32
    %mul3A_69 = arith.muli %add3A_67, %mul3A_68 : i32
    %dma_start3A_70 = arith.constant 1 : i32
    %dma_start3A_71 = arith.constant 0 : i32
    %dma_start3A_72 = arith.constant 0 : i32
    %dma_start3A_73 = tpu.memref_slice %arg6[%dma_start3A_70, %dma_start3A_71, %dma_start3A_72] : memref<2x128x256xf32, #tpu.memory_space<vmem>> -> memref<1x128x256xf32, #tpu.memory_space<vmem>>
    %dma_start3A_74 = tpu.memref_squeeze %dma_start3A_73 : memref<1x128x256xf32, #tpu.memory_space<vmem>> -> memref<128x256xf32, #tpu.memory_space<vmem>>
    %dma_start3A_75 = arith.constant 0 : i32
    %dma_start3A_76 = tpu.memref_slice %arg4[%mul3A_69, %dma_start3A_75] : memref<8192x256xf32, #tpu.memory_space<hbm>> -> memref<128x256xf32, #tpu.memory_space<hbm>>
    %dma_start3A_77 = arith.constant 0 : i32
    %dma_start3A_78 = tpu.memref_slice %arg4[%mul3A_69, %dma_start3A_77] : memref<8192x256xf32, #tpu.memory_space<hbm>> -> memref<128x256xf32, #tpu.memory_space<hbm>>
    %dma_start3A_79 = arith.constant 0 : i32
    %dma_start3A_80 = arith.constant 0 : i32
    %dma_start3A_81 = tpu.memref_slice %arg6[%dma_start3A_70, %dma_start3A_79, %dma_start3A_80] : memref<2x128x256xf32, #tpu.memory_space<vmem>> -> memref<1x128x256xf32, #tpu.memory_space<vmem>>
    %dma_start3A_82 = tpu.memref_squeeze %dma_start3A_81 : memref<1x128x256xf32, #tpu.memory_space<vmem>> -> memref<128x256xf32, #tpu.memory_space<vmem>>
    tpu.enqueue_dma source(%dma_start3A_82 : memref<128x256xf32, #tpu.memory_space<vmem>>) target(%dma_start3A_78 : memref<128x256xf32, #tpu.memory_space<hbm>>) target_semaphore(%arg8 : memref<!tpu.dma_semaphore, #tpu.memory_space<semaphore_mem>>)
    %dma_wait3A_83 = arith.constant 0 : i32
    %dma_wait3A_84 = arith.constant 0 : i32
    %dma_wait3A_85 = arith.constant 0 : i32
    %dma_wait3A_86 = tpu.memref_slice %arg6[%dma_wait3A_83, %dma_wait3A_84, %dma_wait3A_85] : memref<2x128x256xf32, #tpu.memory_space<vmem>> -> memref<1x128x256xf32, #tpu.memory_space<vmem>>
    %dma_wait3A_87 = tpu.memref_squeeze %dma_wait3A_86 : memref<1x128x256xf32, #tpu.memory_space<vmem>> -> memref<128x256xf32, #tpu.memory_space<vmem>>
    %dma_wait3A_88 = arith.constant 0 : i32
    %dma_wait3A_89 = tpu.memref_slice %arg4[%mul3A_40, %dma_wait3A_88] : memref<8192x256xf32, #tpu.memory_space<hbm>> -> memref<128x256xf32, #tpu.memory_space<hbm>>
    %dma_wait3A_90 = arith.constant 0 : i32
    %dma_wait3A_91 = tpu.memref_slice %arg4[%mul3A_40, %dma_wait3A_90] : memref<8192x256xf32, #tpu.memory_space<hbm>> -> memref<128x256xf32, #tpu.memory_space<hbm>>
    %dma_wait3A_92 = arith.constant 0 : i32
    %dma_wait3A_93 = arith.constant 0 : i32
    %dma_wait3A_94 = tpu.memref_slice %arg6[%dma_wait3A_83, %dma_wait3A_92, %dma_wait3A_93] : memref<2x128x256xf32, #tpu.memory_space<vmem>> -> memref<1x128x256xf32, #tpu.memory_space<vmem>>
    %dma_wait3A_95 = tpu.memref_squeeze %dma_wait3A_94 : memref<1x128x256xf32, #tpu.memory_space<vmem>> -> memref<128x256xf32, #tpu.memory_space<vmem>>
    tpu.wait_dma2 semaphore(%arg8 : memref<!tpu.dma_semaphore, #tpu.memory_space<semaphore_mem>>) src(%dma_wait3A_95 : memref<128x256xf32, #tpu.memory_space<vmem>>) dst(%dma_wait3A_91 : memref<128x256xf32, #tpu.memory_space<hbm>>)
    %dma_wait3A_96 = arith.constant 1 : i32
    %dma_wait3A_97 = arith.constant 0 : i32
    %dma_wait3A_98 = arith.constant 0 : i32
    %dma_wait3A_99 = tpu.memref_slice %arg6[%dma_wait3A_96, %dma_wait3A_97, %dma_wait3A_98] : memref<2x128x256xf32, #tpu.memory_space<vmem>> -> memref<1x128x256xf32, #tpu.memory_space<vmem>>
    %dma_wait3A_100 = tpu.memref_squeeze %dma_wait3A_99 : memref<1x128x256xf32, #tpu.memory_space<vmem>> -> memref<128x256xf32, #tpu.memory_space<vmem>>
    %dma_wait3A_101 = arith.constant 0 : i32
    %dma_wait3A_102 = tpu.memref_slice %arg4[%mul3A_69, %dma_wait3A_101] : memref<8192x256xf32, #tpu.memory_space<hbm>> -> memref<128x256xf32, #tpu.memory_space<hbm>>
    %dma_wait3A_103 = arith.constant 0 : i32
    %dma_wait3A_104 = tpu.memref_slice %arg4[%mul3A_69, %dma_wait3A_103] : memref<8192x256xf32, #tpu.memory_space<hbm>> -> memref<128x256xf32, #tpu.memory_space<hbm>>
    %dma_wait3A_105 = arith.constant 0 : i32
    %dma_wait3A_106 = arith.constant 0 : i32
    %dma_wait3A_107 = tpu.memref_slice %arg6[%dma_wait3A_96, %dma_wait3A_105, %dma_wait3A_106] : memref<2x128x256xf32, #tpu.memory_space<vmem>> -> memref<1x128x256xf32, #tpu.memory_space<vmem>>
    %dma_wait3A_108 = tpu.memref_squeeze %dma_wait3A_107 : memref<1x128x256xf32, #tpu.memory_space<vmem>> -> memref<128x256xf32, #tpu.memory_space<vmem>>
    tpu.wait_dma2 semaphore(%arg8 : memref<!tpu.dma_semaphore, #tpu.memory_space<semaphore_mem>>) src(%dma_wait3A_108 : memref<128x256xf32, #tpu.memory_space<vmem>>) dst(%dma_wait3A_104 : memref<128x256xf32, #tpu.memory_space<hbm>>)
    return
  }
}

module attributes {stable_mosaic.version = 14 : i64} {
  func.func @_decode_body(%arg0: i32, %arg1: memref<1024x256xf32, #tpu.memory_space<vmem>>, %arg2: memref<512x256xf32, #tpu.memory_space<vmem>>, %arg3: memref<512x1xf32, #tpu.memory_space<vmem>>, %arg4: memref<1x512x1024xf32, #tpu.memory_space<vmem>>) attributes {dimension_semantics = [#tpu.dimension_semantics<arbitrary>], iteration_bounds = array<i64: 8>, scalar_prefetch = 0 : i64, scratch_operands = 0 : i64, tpu.core_type = #tpu.core_type<tc>, window_params = [{transform_indices = @transform_0, window_bounds = array<i64: 1024, 256>}, {pipeline_mode = #tpu.pipeline_mode<synchronous>, transform_indices = @transform_1, window_bounds = array<i64: 512, 256>}, {pipeline_mode = #tpu.pipeline_mode<synchronous>, transform_indices = @transform_2, window_bounds = array<i64: 512, 1>}, {transform_indices = @transform_3, window_bounds = array<i64: 1, 512, 1024>}]} {
    %get3A = arith.constant 0 : index
    %get3A_0 = arith.constant 0 : index
    %get3A_1 = vector.load %arg2[%get3A, %get3A_0] : memref<512x256xf32, #tpu.memory_space<vmem>>, vector<512x256xf32>
    %get3A_2 = arith.constant 0 : index
    %get3A_3 = arith.constant 0 : index
    %get3A_4 = vector.load %arg1[%get3A_2, %get3A_3] : memref<1024x256xf32, #tpu.memory_space<vmem>>, vector<1024x256xf32>
    %dot_general3A = arith.constant dense<0.000000e+00> : vector<512x1024xf32>
    %dot_general3A_5 = tpu.matmul %get3A_1, %get3A_4, %dot_general3A {dimension_numbers = #tpu.dot_dimension_numbers<[1], [1], [0], [0], [0, 0, 1, 0], [], []>, transpose_lhs_hint = false} : vector<512x256xf32>, vector<1024x256xf32>, vector<512x1024xf32> -> vector<512x1024xf32>
    %get3A_6 = arith.constant 0 : index
    %get3A_7 = arith.constant 0 : index
    %get3A_8 = vector.load %arg3[%get3A_6, %get3A_7] : memref<512x1xf32, #tpu.memory_space<vmem>>, vector<512x1xf32>
    %add3A = vector.broadcast %get3A_8 : vector<512x1xf32> to vector<512x1024xf32>
    %add3A_9 = arith.addf %dot_general3A_5, %add3A : vector<512x1024xf32>
    %swap3A = arith.constant 0 : index
    %swap3A_10 = arith.constant 0 : index
    %swap3A_11 = arith.constant 0 : index
    %swap3A_12 = vector.load %arg4[%swap3A, %swap3A_10, %swap3A_11] : memref<1x512x1024xf32, #tpu.memory_space<vmem>>, vector<1x512x1024xf32>
    %swap3A_13 = vector.shape_cast %swap3A_12 : vector<1x512x1024xf32> to vector<512x1024xf32>
    %swap3A_14 = vector.shape_cast %add3A_9 : vector<512x1024xf32> to vector<1x512x1024xf32>
    tpu.vector_store %arg4[%swap3A, %swap3A_10, %swap3A_11], %swap3A_14 {strides = array<i32>} : memref<1x512x1024xf32, #tpu.memory_space<vmem>>, vector<1x512x1024xf32>,
    return
  }
  func.func @transform_0(%arg0: i32) -> (i32, i32) {
    %c0_i32 = arith.constant 0 : i32
    %c0_i32_0 = arith.constant 0 : i32
    return %arg0, %c0_i32 : i32, i32
  }
  func.func @transform_1(%arg0: i32) -> (i32, i32) {
    %c0_i32 = arith.constant 0 : i32
    %c0_i32_0 = arith.constant 0 : i32
    %c0_i32_1 = arith.constant 0 : i32
    return %c0_i32, %c0_i32_0 : i32, i32
  }
  func.func @transform_2(%arg0: i32) -> (i32, i32) {
    %c0_i32 = arith.constant 0 : i32
    %c0_i32_0 = arith.constant 0 : i32
    %c0_i32_1 = arith.constant 0 : i32
    return %c0_i32, %c0_i32_0 : i32, i32
  }
  func.func @transform_3(%arg0: i32) -> (i32, i32, i32) {
    %c0_i32 = arith.constant 0 : i32
    %c0_i32_0 = arith.constant 0 : i32
    %c0_i32_1 = arith.constant 0 : i32
    return %arg0, %c0_i32, %c0_i32_0 : i32, i32, i32
  }
}

module attributes {stable_mosaic.version = 14 : i64} {
  func.func @_encode_argmin_body(%arg0: i32, %arg1: memref<1x512x1024xf32, #tpu.memory_space<vmem>>, %arg2: memref<256x512xf32, #tpu.memory_space<vmem>>, %arg3: memref<256x1xf32, #tpu.memory_space<vmem>>, %arg4: memref<8192x256xf32, #tpu.memory_space<vmem>>, %arg5: memref<1x1x1024xi32, #tpu.memory_space<vmem>>, %arg6: memref<1x1x1024xf32, #tpu.memory_space<vmem>>, %arg7: memref<8192x1xf32, #tpu.memory_space<vmem>>) attributes {dimension_semantics = [#tpu.dimension_semantics<arbitrary>], iteration_bounds = array<i64: 8>, scalar_prefetch = 0 : i64, scratch_operands = 1 : i64, tpu.core_type = #tpu.core_type<tc>, window_params = [{transform_indices = @transform_0, window_bounds = array<i64: 1, 512, 1024>}, {pipeline_mode = #tpu.pipeline_mode<synchronous>, transform_indices = @transform_1, window_bounds = array<i64: 256, 512>}, {pipeline_mode = #tpu.pipeline_mode<synchronous>, transform_indices = @transform_2, window_bounds = array<i64: 256, 1>}, {pipeline_mode = #tpu.pipeline_mode<synchronous>, transform_indices = @transform_3, window_bounds = array<i64: 8192, 256>}, {transform_indices = @transform_4, window_bounds = array<i64: 1, 1, 1024>}, {transform_indices = @transform_5, window_bounds = array<i64: 1, 1, 1024>}]} {
    %eq3A = arith.constant 0 : i32
    %eq3A_0 = arith.cmpi eq, %arg0, %eq3A : i32
    %convert_element_type3A = arith.extui %eq3A_0 : i1 to i32
    %cond3A = arith.constant 0 : i32
    %cond3A_1 = arith.cmpi ne, %convert_element_type3A, %cond3A : i32
    scf.if %cond3A_1 {
      %get3A_362 = arith.constant 0 : index
      %get3A_363 = arith.constant 0 : index
      %get3A_364 = vector.load %arg4[%get3A_362, %get3A_363] : memref<8192x256xf32, #tpu.memory_space<vmem>>, vector<8192x256xf32>
      %get3A_365 = arith.constant 0 : index
      %get3A_366 = arith.constant 0 : index
      %get3A_367 = vector.load %arg4[%get3A_365, %get3A_366] : memref<8192x256xf32, #tpu.memory_space<vmem>>, vector<8192x256xf32>
      %mul3A_368 = arith.mulf %get3A_364, %get3A_367 : vector<8192x256xf32>
      %reduce_sum3A_369 = arith.constant dense<0.000000e+00> : vector<8192xf32>
      %reduce_sum3A_370 = vector.multi_reduction <add>, %mul3A_368, %reduce_sum3A_369 [1] : vector<8192x256xf32> to vector<8192xf32>
      %broadcast_in_dim3A_371 = vector.shape_cast %reduce_sum3A_370 : vector<8192xf32> to vector<8192x1xf32>
      %swap3A_372 = arith.constant 0 : index
      %swap3A_373 = arith.constant 0 : index
      %swap3A_374 = vector.load %arg7[%swap3A_372, %swap3A_373] : memref<8192x1xf32, #tpu.memory_space<vmem>>, vector<8192x1xf32>
      tpu.vector_store %arg7[%swap3A_372, %swap3A_373], %broadcast_in_dim3A_371 {strides = array<i32>} : memref<8192x1xf32, #tpu.memory_space<vmem>>, vector<8192x1xf32>,
    } else {
    }
    %get3A = arith.constant 0 : index
    %get3A_2 = arith.constant 0 : index
    %get3A_3 = arith.constant 0 : index
    %get3A_4 = vector.load %arg1[%get3A, %get3A_2, %get3A_3] : memref<1x512x1024xf32, #tpu.memory_space<vmem>>, vector<1x512x1024xf32>
    %get3A_5 = vector.shape_cast %get3A_4 : vector<1x512x1024xf32> to vector<512x1024xf32>
    %get3A_6 = arith.constant 0 : index
    %get3A_7 = arith.constant 0 : index
    %get3A_8 = vector.load %arg2[%get3A_6, %get3A_7] : memref<256x512xf32, #tpu.memory_space<vmem>>, vector<256x512xf32>
    %dot_general3A = arith.constant dense<0.000000e+00> : vector<256x1024xf32>
    %dot_general3A_9 = tpu.matmul %get3A_8, %get3A_5, %dot_general3A {dimension_numbers = #tpu.dot_dimension_numbers<[1], [0], [0], [1], [0, 0, 1, 1], [], []>, transpose_lhs_hint = false} : vector<256x512xf32>, vector<512x1024xf32>, vector<256x1024xf32> -> vector<256x1024xf32>
    %get3A_10 = arith.constant 0 : index
    %get3A_11 = arith.constant 0 : index
    %get3A_12 = vector.load %arg3[%get3A_10, %get3A_11] : memref<256x1xf32, #tpu.memory_space<vmem>>, vector<256x1xf32>
    %add3A = vector.broadcast %get3A_12 : vector<256x1xf32> to vector<256x1024xf32>
    %add3A_13 = arith.addf %dot_general3A_9, %add3A : vector<256x1024xf32>
    %add3A_14 = arith.addf %add3A_13, %add3A_13 : vector<256x1024xf32>
    %mul3A = arith.mulf %add3A_13, %add3A_13 : vector<256x1024xf32>
    %reduce_sum3A = arith.constant dense<0.000000e+00> : vector<1024xf32>
    %reduce_sum3A_15 = vector.multi_reduction <add>, %mul3A, %reduce_sum3A [0] : vector<256x1024xf32> to vector<1024xf32>
    %broadcast_in_dim3A = vector.shape_cast %reduce_sum3A_15 : vector<1024xf32> to vector<1x1024xf32>
    %broadcast_in_dim3A_16 = arith.constant 0x7F800000 : f32
    %broadcast_in_dim3A_17 = vector.broadcast %broadcast_in_dim3A_16 : f32 to vector<1x1024xf32>
    %broadcast_in_dim3A_18 = arith.constant 0 : i32
    %broadcast_in_dim3A_19 = vector.broadcast %broadcast_in_dim3A_18 : i32 to vector<1x1024xi32>
    %get3A_20 = arith.constant 0 : index
    %get3A_21 = arith.constant 0 : index
    %get3A_22 = vector.load %arg4[%get3A_20, %get3A_21] : memref<8192x256xf32, #tpu.memory_space<vmem>>, vector<512x256xf32>
    %dot_general3A_23 = arith.constant dense<0.000000e+00> : vector<512x1024xf32>
    %dot_general3A_24 = tpu.matmul %get3A_22, %add3A_14, %dot_general3A_23 {dimension_numbers = #tpu.dot_dimension_numbers<[1], [0], [0], [1], [0, 0, 1, 1], [], []>, transpose_lhs_hint = false} : vector<512x256xf32>, vector<256x1024xf32>, vector<512x1024xf32> -> vector<512x1024xf32>
    %get3A_25 = arith.constant 0 : index
    %get3A_26 = arith.constant 0 : index
    %get3A_27 = vector.load %arg7[%get3A_25, %get3A_26] : memref<8192x1xf32, #tpu.memory_space<vmem>>, vector<512x1xf32>
    %sub3A = vector.broadcast %get3A_27 : vector<512x1xf32> to vector<512x1024xf32>
    %sub3A_28 = arith.subf %sub3A, %dot_general3A_24 : vector<512x1024xf32>
    %reduce_min3A = arith.constant dense<0x7F800000> : vector<1024xf32>
    %reduce_min3A_29 = vector.multi_reduction <minimumf>, %sub3A_28, %reduce_min3A [0] : vector<512x1024xf32> to vector<1024xf32>
    %broadcast_in_dim3A_30 = vector.shape_cast %reduce_min3A_29 : vector<1024xf32> to vector<1x1024xf32>
    %argmin3A = tpu.reduce_index %sub3A_28 {axis = 0 : i32, kind = #tpu.reduction_kind<arg_min>} : vector<512x1024xf32> -> vector<1024xi32>
    %reshape3A = vector.shape_cast %argmin3A : vector<1024xi32> to vector<1x1024xi32>
    %lt3A = arith.cmpf olt, %broadcast_in_dim3A_30, %broadcast_in_dim3A_17 : vector<1x1024xf32>
    %add3A_31 = arith.constant 0 : i32
    %add3A_32 = vector.broadcast %add3A_31 : i32 to vector<1x1024xi32>
    %add3A_33 = arith.addi %reshape3A, %add3A_32 : vector<1x1024xi32>
    %select_n3A = arith.select %lt3A, %add3A_33, %broadcast_in_dim3A_19 : vector<1x1024xi1>, vector<1x1024xi32>
    %select_n3A_34 = arith.select %lt3A, %broadcast_in_dim3A_30, %broadcast_in_dim3A_17 : vector<1x1024xi1>, vector<1x1024xf32>
    %get3A_35 = arith.constant 512 : index
    %get3A_36 = arith.constant 0 : index
    %get3A_37 = vector.load %arg4[%get3A_35, %get3A_36] : memref<8192x256xf32, #tpu.memory_space<vmem>>, vector<512x256xf32>
    %dot_general3A_38 = arith.constant dense<0.000000e+00> : vector<512x1024xf32>
    %dot_general3A_39 = tpu.matmul %get3A_37, %add3A_14, %dot_general3A_38 {dimension_numbers = #tpu.dot_dimension_numbers<[1], [0], [0], [1], [0, 0, 1, 1], [], []>, transpose_lhs_hint = false} : vector<512x256xf32>, vector<256x1024xf32>, vector<512x1024xf32> -> vector<512x1024xf32>
    %get3A_40 = arith.constant 512 : index
    %get3A_41 = arith.constant 0 : index
    %get3A_42 = vector.load %arg7[%get3A_40, %get3A_41] : memref<8192x1xf32, #tpu.memory_space<vmem>>, vector<512x1xf32>
    %sub3A_43 = vector.broadcast %get3A_42 : vector<512x1xf32> to vector<512x1024xf32>
    %sub3A_44 = arith.subf %sub3A_43, %dot_general3A_39 : vector<512x1024xf32>
    %reduce_min3A_45 = arith.constant dense<0x7F800000> : vector<1024xf32>
    %reduce_min3A_46 = vector.multi_reduction <minimumf>, %sub3A_44, %reduce_min3A_45 [0] : vector<512x1024xf32> to vector<1024xf32>
    %broadcast_in_dim3A_47 = vector.shape_cast %reduce_min3A_46 : vector<1024xf32> to vector<1x1024xf32>
    %argmin3A_48 = tpu.reduce_index %sub3A_44 {axis = 0 : i32, kind = #tpu.reduction_kind<arg_min>} : vector<512x1024xf32> -> vector<1024xi32>
    %reshape3A_49 = vector.shape_cast %argmin3A_48 : vector<1024xi32> to vector<1x1024xi32>
    %lt3A_50 = arith.cmpf olt, %broadcast_in_dim3A_47, %select_n3A_34 : vector<1x1024xf32>
    %add3A_51 = arith.constant 512 : i32
    %add3A_52 = vector.broadcast %add3A_51 : i32 to vector<1x1024xi32>
    %add3A_53 = arith.addi %reshape3A_49, %add3A_52 : vector<1x1024xi32>
    %select_n3A_54 = arith.select %lt3A_50, %add3A_53, %select_n3A : vector<1x1024xi1>, vector<1x1024xi32>
    %select_n3A_55 = arith.select %lt3A_50, %broadcast_in_dim3A_47, %select_n3A_34 : vector<1x1024xi1>, vector<1x1024xf32>
    %get3A_56 = arith.constant 1024 : index
    %get3A_57 = arith.constant 0 : index
    %get3A_58 = vector.load %arg4[%get3A_56, %get3A_57] : memref<8192x256xf32, #tpu.memory_space<vmem>>, vector<512x256xf32>
    %dot_general3A_59 = arith.constant dense<0.000000e+00> : vector<512x1024xf32>
    %dot_general3A_60 = tpu.matmul %get3A_58, %add3A_14, %dot_general3A_59 {dimension_numbers = #tpu.dot_dimension_numbers<[1], [0], [0], [1], [0, 0, 1, 1], [], []>, transpose_lhs_hint = false} : vector<512x256xf32>, vector<256x1024xf32>, vector<512x1024xf32> -> vector<512x1024xf32>
    %get3A_61 = arith.constant 1024 : index
    %get3A_62 = arith.constant 0 : index
    %get3A_63 = vector.load %arg7[%get3A_61, %get3A_62] : memref<8192x1xf32, #tpu.memory_space<vmem>>, vector<512x1xf32>
    %sub3A_64 = vector.broadcast %get3A_63 : vector<512x1xf32> to vector<512x1024xf32>
    %sub3A_65 = arith.subf %sub3A_64, %dot_general3A_60 : vector<512x1024xf32>
    %reduce_min3A_66 = arith.constant dense<0x7F800000> : vector<1024xf32>
    %reduce_min3A_67 = vector.multi_reduction <minimumf>, %sub3A_65, %reduce_min3A_66 [0] : vector<512x1024xf32> to vector<1024xf32>
    %broadcast_in_dim3A_68 = vector.shape_cast %reduce_min3A_67 : vector<1024xf32> to vector<1x1024xf32>
    %argmin3A_69 = tpu.reduce_index %sub3A_65 {axis = 0 : i32, kind = #tpu.reduction_kind<arg_min>} : vector<512x1024xf32> -> vector<1024xi32>
    %reshape3A_70 = vector.shape_cast %argmin3A_69 : vector<1024xi32> to vector<1x1024xi32>
    %lt3A_71 = arith.cmpf olt, %broadcast_in_dim3A_68, %select_n3A_55 : vector<1x1024xf32>
    %add3A_72 = arith.constant 1024 : i32
    %add3A_73 = vector.broadcast %add3A_72 : i32 to vector<1x1024xi32>
    %add3A_74 = arith.addi %reshape3A_70, %add3A_73 : vector<1x1024xi32>
    %select_n3A_75 = arith.select %lt3A_71, %add3A_74, %select_n3A_54 : vector<1x1024xi1>, vector<1x1024xi32>
    %select_n3A_76 = arith.select %lt3A_71, %broadcast_in_dim3A_68, %select_n3A_55 : vector<1x1024xi1>, vector<1x1024xf32>
    %get3A_77 = arith.constant 1536 : index
    %get3A_78 = arith.constant 0 : index
    %get3A_79 = vector.load %arg4[%get3A_77, %get3A_78] : memref<8192x256xf32, #tpu.memory_space<vmem>>, vector<512x256xf32>
    %dot_general3A_80 = arith.constant dense<0.000000e+00> : vector<512x1024xf32>
    %dot_general3A_81 = tpu.matmul %get3A_79, %add3A_14, %dot_general3A_80 {dimension_numbers = #tpu.dot_dimension_numbers<[1], [0], [0], [1], [0, 0, 1, 1], [], []>, transpose_lhs_hint = false} : vector<512x256xf32>, vector<256x1024xf32>, vector<512x1024xf32> -> vector<512x1024xf32>
    %get3A_82 = arith.constant 1536 : index
    %get3A_83 = arith.constant 0 : index
    %get3A_84 = vector.load %arg7[%get3A_82, %get3A_83] : memref<8192x1xf32, #tpu.memory_space<vmem>>, vector<512x1xf32>
    %sub3A_85 = vector.broadcast %get3A_84 : vector<512x1xf32> to vector<512x1024xf32>
    %sub3A_86 = arith.subf %sub3A_85, %dot_general3A_81 : vector<512x1024xf32>
    %reduce_min3A_87 = arith.constant dense<0x7F800000> : vector<1024xf32>
    %reduce_min3A_88 = vector.multi_reduction <minimumf>, %sub3A_86, %reduce_min3A_87 [0] : vector<512x1024xf32> to vector<1024xf32>
    %broadcast_in_dim3A_89 = vector.shape_cast %reduce_min3A_88 : vector<1024xf32> to vector<1x1024xf32>
    %argmin3A_90 = tpu.reduce_index %sub3A_86 {axis = 0 : i32, kind = #tpu.reduction_kind<arg_min>} : vector<512x1024xf32> -> vector<1024xi32>
    %reshape3A_91 = vector.shape_cast %argmin3A_90 : vector<1024xi32> to vector<1x1024xi32>
    %lt3A_92 = arith.cmpf olt, %broadcast_in_dim3A_89, %select_n3A_76 : vector<1x1024xf32>
    %add3A_93 = arith.constant 1536 : i32
    %add3A_94 = vector.broadcast %add3A_93 : i32 to vector<1x1024xi32>
    %add3A_95 = arith.addi %reshape3A_91, %add3A_94 : vector<1x1024xi32>
    %select_n3A_96 = arith.select %lt3A_92, %add3A_95, %select_n3A_75 : vector<1x1024xi1>, vector<1x1024xi32>
    %select_n3A_97 = arith.select %lt3A_92, %broadcast_in_dim3A_89, %select_n3A_76 : vector<1x1024xi1>, vector<1x1024xf32>
    %get3A_98 = arith.constant 2048 : index
    %get3A_99 = arith.constant 0 : index
    %get3A_100 = vector.load %arg4[%get3A_98, %get3A_99] : memref<8192x256xf32, #tpu.memory_space<vmem>>, vector<512x256xf32>
    %dot_general3A_101 = arith.constant dense<0.000000e+00> : vector<512x1024xf32>
    %dot_general3A_102 = tpu.matmul %get3A_100, %add3A_14, %dot_general3A_101 {dimension_numbers = #tpu.dot_dimension_numbers<[1], [0], [0], [1], [0, 0, 1, 1], [], []>, transpose_lhs_hint = false} : vector<512x256xf32>, vector<256x1024xf32>, vector<512x1024xf32> -> vector<512x1024xf32>
    %get3A_103 = arith.constant 2048 : index
    %get3A_104 = arith.constant 0 : index
    %get3A_105 = vector.load %arg7[%get3A_103, %get3A_104] : memref<8192x1xf32, #tpu.memory_space<vmem>>, vector<512x1xf32>
    %sub3A_106 = vector.broadcast %get3A_105 : vector<512x1xf32> to vector<512x1024xf32>
    %sub3A_107 = arith.subf %sub3A_106, %dot_general3A_102 : vector<512x1024xf32>
    %reduce_min3A_108 = arith.constant dense<0x7F800000> : vector<1024xf32>
    %reduce_min3A_109 = vector.multi_reduction <minimumf>, %sub3A_107, %reduce_min3A_108 [0] : vector<512x1024xf32> to vector<1024xf32>
    %broadcast_in_dim3A_110 = vector.shape_cast %reduce_min3A_109 : vector<1024xf32> to vector<1x1024xf32>
    %argmin3A_111 = tpu.reduce_index %sub3A_107 {axis = 0 : i32, kind = #tpu.reduction_kind<arg_min>} : vector<512x1024xf32> -> vector<1024xi32>
    %reshape3A_112 = vector.shape_cast %argmin3A_111 : vector<1024xi32> to vector<1x1024xi32>
    %lt3A_113 = arith.cmpf olt, %broadcast_in_dim3A_110, %select_n3A_97 : vector<1x1024xf32>
    %add3A_114 = arith.constant 2048 : i32
    %add3A_115 = vector.broadcast %add3A_114 : i32 to vector<1x1024xi32>
    %add3A_116 = arith.addi %reshape3A_112, %add3A_115 : vector<1x1024xi32>
    %select_n3A_117 = arith.select %lt3A_113, %add3A_116, %select_n3A_96 : vector<1x1024xi1>, vector<1x1024xi32>
    %select_n3A_118 = arith.select %lt3A_113, %broadcast_in_dim3A_110, %select_n3A_97 : vector<1x1024xi1>, vector<1x1024xf32>
    %get3A_119 = arith.constant 2560 : index
    %get3A_120 = arith.constant 0 : index
    %get3A_121 = vector.load %arg4[%get3A_119, %get3A_120] : memref<8192x256xf32, #tpu.memory_space<vmem>>, vector<512x256xf32>
    %dot_general3A_122 = arith.constant dense<0.000000e+00> : vector<512x1024xf32>
    %dot_general3A_123 = tpu.matmul %get3A_121, %add3A_14, %dot_general3A_122 {dimension_numbers = #tpu.dot_dimension_numbers<[1], [0], [0], [1], [0, 0, 1, 1], [], []>, transpose_lhs_hint = false} : vector<512x256xf32>, vector<256x1024xf32>, vector<512x1024xf32> -> vector<512x1024xf32>
    %get3A_124 = arith.constant 2560 : index
    %get3A_125 = arith.constant 0 : index
    %get3A_126 = vector.load %arg7[%get3A_124, %get3A_125] : memref<8192x1xf32, #tpu.memory_space<vmem>>, vector<512x1xf32>
    %sub3A_127 = vector.broadcast %get3A_126 : vector<512x1xf32> to vector<512x1024xf32>
    %sub3A_128 = arith.subf %sub3A_127, %dot_general3A_123 : vector<512x1024xf32>
    %reduce_min3A_129 = arith.constant dense<0x7F800000> : vector<1024xf32>
    %reduce_min3A_130 = vector.multi_reduction <minimumf>, %sub3A_128, %reduce_min3A_129 [0] : vector<512x1024xf32> to vector<1024xf32>
    %broadcast_in_dim3A_131 = vector.shape_cast %reduce_min3A_130 : vector<1024xf32> to vector<1x1024xf32>
    %argmin3A_132 = tpu.reduce_index %sub3A_128 {axis = 0 : i32, kind = #tpu.reduction_kind<arg_min>} : vector<512x1024xf32> -> vector<1024xi32>
    %reshape3A_133 = vector.shape_cast %argmin3A_132 : vector<1024xi32> to vector<1x1024xi32>
    %lt3A_134 = arith.cmpf olt, %broadcast_in_dim3A_131, %select_n3A_118 : vector<1x1024xf32>
    %add3A_135 = arith.constant 2560 : i32
    %add3A_136 = vector.broadcast %add3A_135 : i32 to vector<1x1024xi32>
    %add3A_137 = arith.addi %reshape3A_133, %add3A_136 : vector<1x1024xi32>
    %select_n3A_138 = arith.select %lt3A_134, %add3A_137, %select_n3A_117 : vector<1x1024xi1>, vector<1x1024xi32>
    %select_n3A_139 = arith.select %lt3A_134, %broadcast_in_dim3A_131, %select_n3A_118 : vector<1x1024xi1>, vector<1x1024xf32>
    %get3A_140 = arith.constant 3072 : index
    %get3A_141 = arith.constant 0 : index
    %get3A_142 = vector.load %arg4[%get3A_140, %get3A_141] : memref<8192x256xf32, #tpu.memory_space<vmem>>, vector<512x256xf32>
    %dot_general3A_143 = arith.constant dense<0.000000e+00> : vector<512x1024xf32>
    %dot_general3A_144 = tpu.matmul %get3A_142, %add3A_14, %dot_general3A_143 {dimension_numbers = #tpu.dot_dimension_numbers<[1], [0], [0], [1], [0, 0, 1, 1], [], []>, transpose_lhs_hint = false} : vector<512x256xf32>, vector<256x1024xf32>, vector<512x1024xf32> -> vector<512x1024xf32>
    %get3A_145 = arith.constant 3072 : index
    %get3A_146 = arith.constant 0 : index
    %get3A_147 = vector.load %arg7[%get3A_145, %get3A_146] : memref<8192x1xf32, #tpu.memory_space<vmem>>, vector<512x1xf32>
    %sub3A_148 = vector.broadcast %get3A_147 : vector<512x1xf32> to vector<512x1024xf32>
    %sub3A_149 = arith.subf %sub3A_148, %dot_general3A_144 : vector<512x1024xf32>
    %reduce_min3A_150 = arith.constant dense<0x7F800000> : vector<1024xf32>
    %reduce_min3A_151 = vector.multi_reduction <minimumf>, %sub3A_149, %reduce_min3A_150 [0] : vector<512x1024xf32> to vector<1024xf32>
    %broadcast_in_dim3A_152 = vector.shape_cast %reduce_min3A_151 : vector<1024xf32> to vector<1x1024xf32>
    %argmin3A_153 = tpu.reduce_index %sub3A_149 {axis = 0 : i32, kind = #tpu.reduction_kind<arg_min>} : vector<512x1024xf32> -> vector<1024xi32>
    %reshape3A_154 = vector.shape_cast %argmin3A_153 : vector<1024xi32> to vector<1x1024xi32>
    %lt3A_155 = arith.cmpf olt, %broadcast_in_dim3A_152, %select_n3A_139 : vector<1x1024xf32>
    %add3A_156 = arith.constant 3072 : i32
    %add3A_157 = vector.broadcast %add3A_156 : i32 to vector<1x1024xi32>
    %add3A_158 = arith.addi %reshape3A_154, %add3A_157 : vector<1x1024xi32>
    %select_n3A_159 = arith.select %lt3A_155, %add3A_158, %select_n3A_138 : vector<1x1024xi1>, vector<1x1024xi32>
    %select_n3A_160 = arith.select %lt3A_155, %broadcast_in_dim3A_152, %select_n3A_139 : vector<1x1024xi1>, vector<1x1024xf32>
    %get3A_161 = arith.constant 3584 : index
    %get3A_162 = arith.constant 0 : index
    %get3A_163 = vector.load %arg4[%get3A_161, %get3A_162] : memref<8192x256xf32, #tpu.memory_space<vmem>>, vector<512x256xf32>
    %dot_general3A_164 = arith.constant dense<0.000000e+00> : vector<512x1024xf32>
    %dot_general3A_165 = tpu.matmul %get3A_163, %add3A_14, %dot_general3A_164 {dimension_numbers = #tpu.dot_dimension_numbers<[1], [0], [0], [1], [0, 0, 1, 1], [], []>, transpose_lhs_hint = false} : vector<512x256xf32>, vector<256x1024xf32>, vector<512x1024xf32> -> vector<512x1024xf32>
    %get3A_166 = arith.constant 3584 : index
    %get3A_167 = arith.constant 0 : index
    %get3A_168 = vector.load %arg7[%get3A_166, %get3A_167] : memref<8192x1xf32, #tpu.memory_space<vmem>>, vector<512x1xf32>
    %sub3A_169 = vector.broadcast %get3A_168 : vector<512x1xf32> to vector<512x1024xf32>
    %sub3A_170 = arith.subf %sub3A_169, %dot_general3A_165 : vector<512x1024xf32>
    %reduce_min3A_171 = arith.constant dense<0x7F800000> : vector<1024xf32>
    %reduce_min3A_172 = vector.multi_reduction <minimumf>, %sub3A_170, %reduce_min3A_171 [0] : vector<512x1024xf32> to vector<1024xf32>
    %broadcast_in_dim3A_173 = vector.shape_cast %reduce_min3A_172 : vector<1024xf32> to vector<1x1024xf32>
    %argmin3A_174 = tpu.reduce_index %sub3A_170 {axis = 0 : i32, kind = #tpu.reduction_kind<arg_min>} : vector<512x1024xf32> -> vector<1024xi32>
    %reshape3A_175 = vector.shape_cast %argmin3A_174 : vector<1024xi32> to vector<1x1024xi32>
    %lt3A_176 = arith.cmpf olt, %broadcast_in_dim3A_173, %select_n3A_160 : vector<1x1024xf32>
    %add3A_177 = arith.constant 3584 : i32
    %add3A_178 = vector.broadcast %add3A_177 : i32 to vector<1x1024xi32>
    %add3A_179 = arith.addi %reshape3A_175, %add3A_178 : vector<1x1024xi32>
    %select_n3A_180 = arith.select %lt3A_176, %add3A_179, %select_n3A_159 : vector<1x1024xi1>, vector<1x1024xi32>
    %select_n3A_181 = arith.select %lt3A_176, %broadcast_in_dim3A_173, %select_n3A_160 : vector<1x1024xi1>, vector<1x1024xf32>
    %get3A_182 = arith.constant 4096 : index
    %get3A_183 = arith.constant 0 : index
    %get3A_184 = vector.load %arg4[%get3A_182, %get3A_183] : memref<8192x256xf32, #tpu.memory_space<vmem>>, vector<512x256xf32>
    %dot_general3A_185 = arith.constant dense<0.000000e+00> : vector<512x1024xf32>
    %dot_general3A_186 = tpu.matmul %get3A_184, %add3A_14, %dot_general3A_185 {dimension_numbers = #tpu.dot_dimension_numbers<[1], [0], [0], [1], [0, 0, 1, 1], [], []>, transpose_lhs_hint = false} : vector<512x256xf32>, vector<256x1024xf32>, vector<512x1024xf32> -> vector<512x1024xf32>
    %get3A_187 = arith.constant 4096 : index
    %get3A_188 = arith.constant 0 : index
    %get3A_189 = vector.load %arg7[%get3A_187, %get3A_188] : memref<8192x1xf32, #tpu.memory_space<vmem>>, vector<512x1xf32>
    %sub3A_190 = vector.broadcast %get3A_189 : vector<512x1xf32> to vector<512x1024xf32>
    %sub3A_191 = arith.subf %sub3A_190, %dot_general3A_186 : vector<512x1024xf32>
    %reduce_min3A_192 = arith.constant dense<0x7F800000> : vector<1024xf32>
    %reduce_min3A_193 = vector.multi_reduction <minimumf>, %sub3A_191, %reduce_min3A_192 [0] : vector<512x1024xf32> to vector<1024xf32>
    %broadcast_in_dim3A_194 = vector.shape_cast %reduce_min3A_193 : vector<1024xf32> to vector<1x1024xf32>
    %argmin3A_195 = tpu.reduce_index %sub3A_191 {axis = 0 : i32, kind = #tpu.reduction_kind<arg_min>} : vector<512x1024xf32> -> vector<1024xi32>
    %reshape3A_196 = vector.shape_cast %argmin3A_195 : vector<1024xi32> to vector<1x1024xi32>
    %lt3A_197 = arith.cmpf olt, %broadcast_in_dim3A_194, %select_n3A_181 : vector<1x1024xf32>
    %add3A_198 = arith.constant 4096 : i32
    %add3A_199 = vector.broadcast %add3A_198 : i32 to vector<1x1024xi32>
    %add3A_200 = arith.addi %reshape3A_196, %add3A_199 : vector<1x1024xi32>
    %select_n3A_201 = arith.select %lt3A_197, %add3A_200, %select_n3A_180 : vector<1x1024xi1>, vector<1x1024xi32>
    %select_n3A_202 = arith.select %lt3A_197, %broadcast_in_dim3A_194, %select_n3A_181 : vector<1x1024xi1>, vector<1x1024xf32>
    %get3A_203 = arith.constant 4608 : index
    %get3A_204 = arith.constant 0 : index
    %get3A_205 = vector.load %arg4[%get3A_203, %get3A_204] : memref<8192x256xf32, #tpu.memory_space<vmem>>, vector<512x256xf32>
    %dot_general3A_206 = arith.constant dense<0.000000e+00> : vector<512x1024xf32>
    %dot_general3A_207 = tpu.matmul %get3A_205, %add3A_14, %dot_general3A_206 {dimension_numbers = #tpu.dot_dimension_numbers<[1], [0], [0], [1], [0, 0, 1, 1], [], []>, transpose_lhs_hint = false} : vector<512x256xf32>, vector<256x1024xf32>, vector<512x1024xf32> -> vector<512x1024xf32>
    %get3A_208 = arith.constant 4608 : index
    %get3A_209 = arith.constant 0 : index
    %get3A_210 = vector.load %arg7[%get3A_208, %get3A_209] : memref<8192x1xf32, #tpu.memory_space<vmem>>, vector<512x1xf32>
    %sub3A_211 = vector.broadcast %get3A_210 : vector<512x1xf32> to vector<512x1024xf32>
    %sub3A_212 = arith.subf %sub3A_211, %dot_general3A_207 : vector<512x1024xf32>
    %reduce_min3A_213 = arith.constant dense<0x7F800000> : vector<1024xf32>
    %reduce_min3A_214 = vector.multi_reduction <minimumf>, %sub3A_212, %reduce_min3A_213 [0] : vector<512x1024xf32> to vector<1024xf32>
    %broadcast_in_dim3A_215 = vector.shape_cast %reduce_min3A_214 : vector<1024xf32> to vector<1x1024xf32>
    %argmin3A_216 = tpu.reduce_index %sub3A_212 {axis = 0 : i32, kind = #tpu.reduction_kind<arg_min>} : vector<512x1024xf32> -> vector<1024xi32>
    %reshape3A_217 = vector.shape_cast %argmin3A_216 : vector<1024xi32> to vector<1x1024xi32>
    %lt3A_218 = arith.cmpf olt, %broadcast_in_dim3A_215, %select_n3A_202 : vector<1x1024xf32>
    %add3A_219 = arith.constant 4608 : i32
    %add3A_220 = vector.broadcast %add3A_219 : i32 to vector<1x1024xi32>
    %add3A_221 = arith.addi %reshape3A_217, %add3A_220 : vector<1x1024xi32>
    %select_n3A_222 = arith.select %lt3A_218, %add3A_221, %select_n3A_201 : vector<1x1024xi1>, vector<1x1024xi32>
    %select_n3A_223 = arith.select %lt3A_218, %broadcast_in_dim3A_215, %select_n3A_202 : vector<1x1024xi1>, vector<1x1024xf32>
    %get3A_224 = arith.constant 5120 : index
    %get3A_225 = arith.constant 0 : index
    %get3A_226 = vector.load %arg4[%get3A_224, %get3A_225] : memref<8192x256xf32, #tpu.memory_space<vmem>>, vector<512x256xf32>
    %dot_general3A_227 = arith.constant dense<0.000000e+00> : vector<512x1024xf32>
    %dot_general3A_228 = tpu.matmul %get3A_226, %add3A_14, %dot_general3A_227 {dimension_numbers = #tpu.dot_dimension_numbers<[1], [0], [0], [1], [0, 0, 1, 1], [], []>, transpose_lhs_hint = false} : vector<512x256xf32>, vector<256x1024xf32>, vector<512x1024xf32> -> vector<512x1024xf32>
    %get3A_229 = arith.constant 5120 : index
    %get3A_230 = arith.constant 0 : index
    %get3A_231 = vector.load %arg7[%get3A_229, %get3A_230] : memref<8192x1xf32, #tpu.memory_space<vmem>>, vector<512x1xf32>
    %sub3A_232 = vector.broadcast %get3A_231 : vector<512x1xf32> to vector<512x1024xf32>
    %sub3A_233 = arith.subf %sub3A_232, %dot_general3A_228 : vector<512x1024xf32>
    %reduce_min3A_234 = arith.constant dense<0x7F800000> : vector<1024xf32>
    %reduce_min3A_235 = vector.multi_reduction <minimumf>, %sub3A_233, %reduce_min3A_234 [0] : vector<512x1024xf32> to vector<1024xf32>
    %broadcast_in_dim3A_236 = vector.shape_cast %reduce_min3A_235 : vector<1024xf32> to vector<1x1024xf32>
    %argmin3A_237 = tpu.reduce_index %sub3A_233 {axis = 0 : i32, kind = #tpu.reduction_kind<arg_min>} : vector<512x1024xf32> -> vector<1024xi32>
    %reshape3A_238 = vector.shape_cast %argmin3A_237 : vector<1024xi32> to vector<1x1024xi32>
    %lt3A_239 = arith.cmpf olt, %broadcast_in_dim3A_236, %select_n3A_223 : vector<1x1024xf32>
    %add3A_240 = arith.constant 5120 : i32
    %add3A_241 = vector.broadcast %add3A_240 : i32 to vector<1x1024xi32>
    %add3A_242 = arith.addi %reshape3A_238, %add3A_241 : vector<1x1024xi32>
    %select_n3A_243 = arith.select %lt3A_239, %add3A_242, %select_n3A_222 : vector<1x1024xi1>, vector<1x1024xi32>
    %select_n3A_244 = arith.select %lt3A_239, %broadcast_in_dim3A_236, %select_n3A_223 : vector<1x1024xi1>, vector<1x1024xf32>
    %get3A_245 = arith.constant 5632 : index
    %get3A_246 = arith.constant 0 : index
    %get3A_247 = vector.load %arg4[%get3A_245, %get3A_246] : memref<8192x256xf32, #tpu.memory_space<vmem>>, vector<512x256xf32>
    %dot_general3A_248 = arith.constant dense<0.000000e+00> : vector<512x1024xf32>
    %dot_general3A_249 = tpu.matmul %get3A_247, %add3A_14, %dot_general3A_248 {dimension_numbers = #tpu.dot_dimension_numbers<[1], [0], [0], [1], [0, 0, 1, 1], [], []>, transpose_lhs_hint = false} : vector<512x256xf32>, vector<256x1024xf32>, vector<512x1024xf32> -> vector<512x1024xf32>
    %get3A_250 = arith.constant 5632 : index
    %get3A_251 = arith.constant 0 : index
    %get3A_252 = vector.load %arg7[%get3A_250, %get3A_251] : memref<8192x1xf32, #tpu.memory_space<vmem>>, vector<512x1xf32>
    %sub3A_253 = vector.broadcast %get3A_252 : vector<512x1xf32> to vector<512x1024xf32>
    %sub3A_254 = arith.subf %sub3A_253, %dot_general3A_249 : vector<512x1024xf32>
    %reduce_min3A_255 = arith.constant dense<0x7F800000> : vector<1024xf32>
    %reduce_min3A_256 = vector.multi_reduction <minimumf>, %sub3A_254, %reduce_min3A_255 [0] : vector<512x1024xf32> to vector<1024xf32>
    %broadcast_in_dim3A_257 = vector.shape_cast %reduce_min3A_256 : vector<1024xf32> to vector<1x1024xf32>
    %argmin3A_258 = tpu.reduce_index %sub3A_254 {axis = 0 : i32, kind = #tpu.reduction_kind<arg_min>} : vector<512x1024xf32> -> vector<1024xi32>
    %reshape3A_259 = vector.shape_cast %argmin3A_258 : vector<1024xi32> to vector<1x1024xi32>
    %lt3A_260 = arith.cmpf olt, %broadcast_in_dim3A_257, %select_n3A_244 : vector<1x1024xf32>
    %add3A_261 = arith.constant 5632 : i32
    %add3A_262 = vector.broadcast %add3A_261 : i32 to vector<1x1024xi32>
    %add3A_263 = arith.addi %reshape3A_259, %add3A_262 : vector<1x1024xi32>
    %select_n3A_264 = arith.select %lt3A_260, %add3A_263, %select_n3A_243 : vector<1x1024xi1>, vector<1x1024xi32>
    %select_n3A_265 = arith.select %lt3A_260, %broadcast_in_dim3A_257, %select_n3A_244 : vector<1x1024xi1>, vector<1x1024xf32>
    %get3A_266 = arith.constant 6144 : index
    %get3A_267 = arith.constant 0 : index
    %get3A_268 = vector.load %arg4[%get3A_266, %get3A_267] : memref<8192x256xf32, #tpu.memory_space<vmem>>, vector<512x256xf32>
    %dot_general3A_269 = arith.constant dense<0.000000e+00> : vector<512x1024xf32>
    %dot_general3A_270 = tpu.matmul %get3A_268, %add3A_14, %dot_general3A_269 {dimension_numbers = #tpu.dot_dimension_numbers<[1], [0], [0], [1], [0, 0, 1, 1], [], []>, transpose_lhs_hint = false} : vector<512x256xf32>, vector<256x1024xf32>, vector<512x1024xf32> -> vector<512x1024xf32>
    %get3A_271 = arith.constant 6144 : index
    %get3A_272 = arith.constant 0 : index
    %get3A_273 = vector.load %arg7[%get3A_271, %get3A_272] : memref<8192x1xf32, #tpu.memory_space<vmem>>, vector<512x1xf32>
    %sub3A_274 = vector.broadcast %get3A_273 : vector<512x1xf32> to vector<512x1024xf32>
    %sub3A_275 = arith.subf %sub3A_274, %dot_general3A_270 : vector<512x1024xf32>
    %reduce_min3A_276 = arith.constant dense<0x7F800000> : vector<1024xf32>
    %reduce_min3A_277 = vector.multi_reduction <minimumf>, %sub3A_275, %reduce_min3A_276 [0] : vector<512x1024xf32> to vector<1024xf32>
    %broadcast_in_dim3A_278 = vector.shape_cast %reduce_min3A_277 : vector<1024xf32> to vector<1x1024xf32>
    %argmin3A_279 = tpu.reduce_index %sub3A_275 {axis = 0 : i32, kind = #tpu.reduction_kind<arg_min>} : vector<512x1024xf32> -> vector<1024xi32>
    %reshape3A_280 = vector.shape_cast %argmin3A_279 : vector<1024xi32> to vector<1x1024xi32>
    %lt3A_281 = arith.cmpf olt, %broadcast_in_dim3A_278, %select_n3A_265 : vector<1x1024xf32>
    %add3A_282 = arith.constant 6144 : i32
    %add3A_283 = vector.broadcast %add3A_282 : i32 to vector<1x1024xi32>
    %add3A_284 = arith.addi %reshape3A_280, %add3A_283 : vector<1x1024xi32>
    %select_n3A_285 = arith.select %lt3A_281, %add3A_284, %select_n3A_264 : vector<1x1024xi1>, vector<1x1024xi32>
    %select_n3A_286 = arith.select %lt3A_281, %broadcast_in_dim3A_278, %select_n3A_265 : vector<1x1024xi1>, vector<1x1024xf32>
    %get3A_287 = arith.constant 6656 : index
    %get3A_288 = arith.constant 0 : index
    %get3A_289 = vector.load %arg4[%get3A_287, %get3A_288] : memref<8192x256xf32, #tpu.memory_space<vmem>>, vector<512x256xf32>
    %dot_general3A_290 = arith.constant dense<0.000000e+00> : vector<512x1024xf32>
    %dot_general3A_291 = tpu.matmul %get3A_289, %add3A_14, %dot_general3A_290 {dimension_numbers = #tpu.dot_dimension_numbers<[1], [0], [0], [1], [0, 0, 1, 1], [], []>, transpose_lhs_hint = false} : vector<512x256xf32>, vector<256x1024xf32>, vector<512x1024xf32> -> vector<512x1024xf32>
    %get3A_292 = arith.constant 6656 : index
    %get3A_293 = arith.constant 0 : index
    %get3A_294 = vector.load %arg7[%get3A_292, %get3A_293] : memref<8192x1xf32, #tpu.memory_space<vmem>>, vector<512x1xf32>
    %sub3A_295 = vector.broadcast %get3A_294 : vector<512x1xf32> to vector<512x1024xf32>
    %sub3A_296 = arith.subf %sub3A_295, %dot_general3A_291 : vector<512x1024xf32>
    %reduce_min3A_297 = arith.constant dense<0x7F800000> : vector<1024xf32>
    %reduce_min3A_298 = vector.multi_reduction <minimumf>, %sub3A_296, %reduce_min3A_297 [0] : vector<512x1024xf32> to vector<1024xf32>
    %broadcast_in_dim3A_299 = vector.shape_cast %reduce_min3A_298 : vector<1024xf32> to vector<1x1024xf32>
    %argmin3A_300 = tpu.reduce_index %sub3A_296 {axis = 0 : i32, kind = #tpu.reduction_kind<arg_min>} : vector<512x1024xf32> -> vector<1024xi32>
    %reshape3A_301 = vector.shape_cast %argmin3A_300 : vector<1024xi32> to vector<1x1024xi32>
    %lt3A_302 = arith.cmpf olt, %broadcast_in_dim3A_299, %select_n3A_286 : vector<1x1024xf32>
    %add3A_303 = arith.constant 6656 : i32
    %add3A_304 = vector.broadcast %add3A_303 : i32 to vector<1x1024xi32>
    %add3A_305 = arith.addi %reshape3A_301, %add3A_304 : vector<1x1024xi32>
    %select_n3A_306 = arith.select %lt3A_302, %add3A_305, %select_n3A_285 : vector<1x1024xi1>, vector<1x1024xi32>
    %select_n3A_307 = arith.select %lt3A_302, %broadcast_in_dim3A_299, %select_n3A_286 : vector<1x1024xi1>, vector<1x1024xf32>
    %get3A_308 = arith.constant 7168 : index
    %get3A_309 = arith.constant 0 : index
    %get3A_310 = vector.load %arg4[%get3A_308, %get3A_309] : memref<8192x256xf32, #tpu.memory_space<vmem>>, vector<512x256xf32>
    %dot_general3A_311 = arith.constant dense<0.000000e+00> : vector<512x1024xf32>
    %dot_general3A_312 = tpu.matmul %get3A_310, %add3A_14, %dot_general3A_311 {dimension_numbers = #tpu.dot_dimension_numbers<[1], [0], [0], [1], [0, 0, 1, 1], [], []>, transpose_lhs_hint = false} : vector<512x256xf32>, vector<256x1024xf32>, vector<512x1024xf32> -> vector<512x1024xf32>
    %get3A_313 = arith.constant 7168 : index
    %get3A_314 = arith.constant 0 : index
    %get3A_315 = vector.load %arg7[%get3A_313, %get3A_314] : memref<8192x1xf32, #tpu.memory_space<vmem>>, vector<512x1xf32>
    %sub3A_316 = vector.broadcast %get3A_315 : vector<512x1xf32> to vector<512x1024xf32>
    %sub3A_317 = arith.subf %sub3A_316, %dot_general3A_312 : vector<512x1024xf32>
    %reduce_min3A_318 = arith.constant dense<0x7F800000> : vector<1024xf32>
    %reduce_min3A_319 = vector.multi_reduction <minimumf>, %sub3A_317, %reduce_min3A_318 [0] : vector<512x1024xf32> to vector<1024xf32>
    %broadcast_in_dim3A_320 = vector.shape_cast %reduce_min3A_319 : vector<1024xf32> to vector<1x1024xf32>
    %argmin3A_321 = tpu.reduce_index %sub3A_317 {axis = 0 : i32, kind = #tpu.reduction_kind<arg_min>} : vector<512x1024xf32> -> vector<1024xi32>
    %reshape3A_322 = vector.shape_cast %argmin3A_321 : vector<1024xi32> to vector<1x1024xi32>
    %lt3A_323 = arith.cmpf olt, %broadcast_in_dim3A_320, %select_n3A_307 : vector<1x1024xf32>
    %add3A_324 = arith.constant 7168 : i32
    %add3A_325 = vector.broadcast %add3A_324 : i32 to vector<1x1024xi32>
    %add3A_326 = arith.addi %reshape3A_322, %add3A_325 : vector<1x1024xi32>
    %select_n3A_327 = arith.select %lt3A_323, %add3A_326, %select_n3A_306 : vector<1x1024xi1>, vector<1x1024xi32>
    %select_n3A_328 = arith.select %lt3A_323, %broadcast_in_dim3A_320, %select_n3A_307 : vector<1x1024xi1>, vector<1x1024xf32>
    %get3A_329 = arith.constant 7680 : index
    %get3A_330 = arith.constant 0 : index
    %get3A_331 = vector.load %arg4[%get3A_329, %get3A_330] : memref<8192x256xf32, #tpu.memory_space<vmem>>, vector<512x256xf32>
    %dot_general3A_332 = arith.constant dense<0.000000e+00> : vector<512x1024xf32>
    %dot_general3A_333 = tpu.matmul %get3A_331, %add3A_14, %dot_general3A_332 {dimension_numbers = #tpu.dot_dimension_numbers<[1], [0], [0], [1], [0, 0, 1, 1], [], []>, transpose_lhs_hint = false} : vector<512x256xf32>, vector<256x1024xf32>, vector<512x1024xf32> -> vector<512x1024xf32>
    %get3A_334 = arith.constant 7680 : index
    %get3A_335 = arith.constant 0 : index
    %get3A_336 = vector.load %arg7[%get3A_334, %get3A_335] : memref<8192x1xf32, #tpu.memory_space<vmem>>, vector<512x1xf32>
    %sub3A_337 = vector.broadcast %get3A_336 : vector<512x1xf32> to vector<512x1024xf32>
    %sub3A_338 = arith.subf %sub3A_337, %dot_general3A_333 : vector<512x1024xf32>
    %reduce_min3A_339 = arith.constant dense<0x7F800000> : vector<1024xf32>
    %reduce_min3A_340 = vector.multi_reduction <minimumf>, %sub3A_338, %reduce_min3A_339 [0] : vector<512x1024xf32> to vector<1024xf32>
    %broadcast_in_dim3A_341 = vector.shape_cast %reduce_min3A_340 : vector<1024xf32> to vector<1x1024xf32>
    %argmin3A_342 = tpu.reduce_index %sub3A_338 {axis = 0 : i32, kind = #tpu.reduction_kind<arg_min>} : vector<512x1024xf32> -> vector<1024xi32>
    %reshape3A_343 = vector.shape_cast %argmin3A_342 : vector<1024xi32> to vector<1x1024xi32>
    %lt3A_344 = arith.cmpf olt, %broadcast_in_dim3A_341, %select_n3A_328 : vector<1x1024xf32>
    %add3A_345 = arith.constant 7680 : i32
    %add3A_346 = vector.broadcast %add3A_345 : i32 to vector<1x1024xi32>
    %add3A_347 = arith.addi %reshape3A_343, %add3A_346 : vector<1x1024xi32>
    %select_n3A_348 = arith.select %lt3A_344, %add3A_347, %select_n3A_327 : vector<1x1024xi1>, vector<1x1024xi32>
    %select_n3A_349 = arith.select %lt3A_344, %broadcast_in_dim3A_341, %select_n3A_328 : vector<1x1024xi1>, vector<1x1024xf32>
    %swap3A = arith.constant 0 : index
    %swap3A_350 = arith.constant 0 : index
    %swap3A_351 = arith.constant 0 : index
    %swap3A_352 = vector.load %arg5[%swap3A, %swap3A_350, %swap3A_351] : memref<1x1x1024xi32, #tpu.memory_space<vmem>>, vector<1x1x1024xi32>
    %swap3A_353 = vector.shape_cast %swap3A_352 : vector<1x1x1024xi32> to vector<1x1024xi32>
    %swap3A_354 = vector.shape_cast %select_n3A_348 : vector<1x1024xi32> to vector<1x1x1024xi32>
    tpu.vector_store %arg5[%swap3A, %swap3A_350, %swap3A_351], %swap3A_354 {strides = array<i32>} : memref<1x1x1024xi32, #tpu.memory_space<vmem>>, vector<1x1x1024xi32>,
    %add3A_355 = arith.addf %select_n3A_349, %broadcast_in_dim3A : vector<1x1024xf32>
    %swap3A_356 = arith.constant 0 : index
    %swap3A_357 = arith.constant 0 : index
    %swap3A_358 = arith.constant 0 : index
    %swap3A_359 = vector.load %arg6[%swap3A_356, %swap3A_357, %swap3A_358] : memref<1x1x1024xf32, #tpu.memory_space<vmem>>, vector<1x1x1024xf32>
    %swap3A_360 = vector.shape_cast %swap3A_359 : vector<1x1x1024xf32> to vector<1x1024xf32>
    %swap3A_361 = vector.shape_cast %add3A_355 : vector<1x1024xf32> to vector<1x1x1024xf32>
    tpu.vector_store %arg6[%swap3A_356, %swap3A_357, %swap3A_358], %swap3A_361 {strides = array<i32>} : memref<1x1x1024xf32, #tpu.memory_space<vmem>>, vector<1x1x1024xf32>,
    return
  }
  func.func @transform_0(%arg0: i32) -> (i32, i32, i32) {
    %c0_i32 = arith.constant 0 : i32
    %c0_i32_0 = arith.constant 0 : i32
    %c0_i32_1 = arith.constant 0 : i32
    return %arg0, %c0_i32, %c0_i32_0 : i32, i32, i32
  }
  func.func @transform_1(%arg0: i32) -> (i32, i32) {
    %c0_i32 = arith.constant 0 : i32
    %c0_i32_0 = arith.constant 0 : i32
    %c0_i32_1 = arith.constant 0 : i32
    return %c0_i32, %c0_i32_0 : i32, i32
  }
  func.func @transform_2(%arg0: i32) -> (i32, i32) {
    %c0_i32 = arith.constant 0 : i32
    %c0_i32_0 = arith.constant 0 : i32
    %c0_i32_1 = arith.constant 0 : i32
    return %c0_i32, %c0_i32_0 : i32, i32
  }
  func.func @transform_3(%arg0: i32) -> (i32, i32) {
    %c0_i32 = arith.constant 0 : i32
    %c0_i32_0 = arith.constant 0 : i32
    %c0_i32_1 = arith.constant 0 : i32
    return %c0_i32, %c0_i32_0 : i32, i32
  }
  func.func @transform_4(%arg0: i32) -> (i32, i32, i32) {
    %c0_i32 = arith.constant 0 : i32
    %c0_i32_0 = arith.constant 0 : i32
    %c0_i32_1 = arith.constant 0 : i32
    return %arg0, %c0_i32, %c0_i32_0 : i32, i32, i32
  }
  func.func @transform_5(%arg0: i32) -> (i32, i32, i32) {
    %c0_i32 = arith.constant 0 : i32
    %c0_i32_0 = arith.constant 0 : i32
    %c0_i32_1 = arith.constant 0 : i32
    return %arg0, %c0_i32, %c0_i32_0 : i32, i32, i32
  }
}

</mosaic_0001>

<sc_bundles>
// kernel: kernel.5.cloned.1.call-start
scs
__scs_entry_jumppad:
0x0: {  	(pc) =	sbr.rel $0x88, $3  }
0x1: {  	(tag) =	ssettag $0x0;
	lr =	simm.s32 $0x1  }
0x2: {  	[smem:$0x3F9B] =	sst lr;
	_ =	strace $0xD0000000  }
0x3: {  	_ = 	snop  }
0x4: {  	_ = 	snop  }
0x5: {  	_ = 	snop  }
0x6: {  	_ = 	snop  }
0x7: {  	_ = 	snop  }
__scs_overlays_trampoline_lowered:
0x8: {  	[smem:$0x3FAA] =	sst s0  }
0x9: {  	[smem:$0x3FAB] =	sst s1  }
0xa: {  	[smem:$0x3FAC] =	sst s2  }
0xb: {  	[smem:$0x3FAD] =	sst s3  }
0xc: {  	[smem:$0x3FAE] =	sst s4  }
0xd: {  	[smem:$0x3FAF] =	sst s5  }
0xe: {  	[smem:$0x3FB0] =	sst s6  }
0xf: {  	[smem:$0x3FB1] =	sst s7  }
0x10: {  	[smem:$0x3FB2] =	sst s8  }
0x11: {  	[smem:$0x3FB3] =	sst s9;
	s0 =	simm.s32 @!p0 $0x0  }
0x12: {  	s1 =	sld [smem:$0x3F99];
	s0 =	simm.s32 @p0 $0x1  }
0x13: {  	[smem:$0x3FB4] =	sst s0;
	s0 =	simm.s32 @!p1 $0x0  }
0x14: {  	s2 =	sld [smem:$0x3F98];
	s0 =	simm.s32 @p1 $0x1  }
0x15: {  	[smem:$0x3FB5] =	sst s0;
	s0 =	simm.s32 @!p2 $0x0  }
0x16: {  	s3 =	sld [smem:$0x3FDB];
	s0 =	simm.s32 @p2 $0x1  }
0x17: {  	s4 =	simm.s32 $0x1BF5;
	[smem:$0x3FB7] =	sst s0  }
0x18: {  	s0 =	sld [smem:$0x3F9A];
	_ =	swait.ge [sflag:s4], $0x0  }
0x19: {  	s7 =	sld [smem:$0x3F9B]  }
0x1a: {  	s8 =	sadd.s32 $0xFFFFE003, lr  }
0x1b: {  	s9 =	sadd.s32 $0xFFFFFEF7, lr;
	s5 =	simm.s32 $0xFFFFFFFF;
	p2 =	slt.u32 s8, $0xFFFFF086  }
0x1c: {  	p1 =	slt.u32 s9, $0xF7A;
	s5 =	simm.s32 @!p2 $0x0  }
0x1d: {  	s5 =	simm.s32 @p1 $0x1;
	p0 =	seq.s32 s7, s2  }
0x1e: {  	s7 =	smul.u32 @!p0 $0xF7A, s2;
	p2 =	seq.s32 @!p0 s5, $0x0  }
0x1f: {  	s9 =	smul.u32 $0xF7A, s1;
	s8 =	simm.s32 @!p0 $0x1BF5;
	p2 =	por !p2, p0  }
0x20: {  	[sflag:s8] =	ssyncset.s32 @!p0 $0xFFFFF086;
	s6 =	sadd.s32 @!p0 s3, s7;
	s7 =	simm.s32 @!p0 $0x108  }
0x21: {  	s3 =	sadd.s32 s3, s9;
	s6 =	sadd.s32 @!p0 $0x88, s6;
	s7 =	simm.s32 @p2 $0x1082  }
0x22: {  	[simem:s7], [sflag:s8] =	dma.local @!p0 [hbm:s6], $0xF7A  }
0x23: {  	s9 =	sor.u32 $0xD0000000, s2;
	s6 =	simm.s32 $0x108;
	_ =	swait.ge @!p0 [sflag:s8], $0x0  }
0x24: {  	s3 =	sadd.s32 $0x88, s3;
	s6 =	simm.s32 @!p1 $0x1082;
	[sflag:s4] =	ssyncset.s32 $0xFFFFF086  }
0x25: {  	[simem:s6], [sflag:s4] =	dma.local [hbm:s3], $0xF7A  }
0x26: {  	[smem:$0x3F9B] =	sst s1;
	(tag) =	ssettag s2;
	_ =	strace s9  }
0x27: {  	s1 =	sld [smem:$0x3FAB]  }
0x28: {  	s2 =	sld [smem:$0x3FAC]  }
0x29: {  	s4 =	sld [smem:$0x3FAE]  }
0x2a: {  	p0 =	seq.s32 s5, $0x0;
	s5 =	sld [smem:$0x3FAF]  }
0x2b: {  	s6 =	sld [smem:$0x3FB0]  }
0x2c: {  	s7 =	sld [smem:$0x3FB1]  }
0x2d: {  	s3 =	simm.s32 $0x108;
	s8 =	sld [smem:$0x3FB2]  }
0x2e: {  	s3 =	simm.s32 @!p0 $0x1082;
	s9 =	sld [smem:$0x3FB3]  }
0x2f: {  	lr =	sadd.s32 s0, s3;
	s0 =	sld [smem:$0x3FAA]  }
0x30: {  	s3 =	sld [smem:$0x3FAD]  }
0x31: {  	[smem:$0x3FB6] =	sst s10  }
0x32: {  	s10 =	sld [smem:$0x3FB4];
	_ =	sdelay $0x3  }
0x33: {  	p0 =	seq.s32 s10, $0x1;
	s10 =	sld [smem:$0x3FB6];
	_ =	sdelay $0x3  }
0x34: {  	[smem:$0x3FB6] =	sst s10  }
0x35: {  	s10 =	sld [smem:$0x3FB5];
	_ =	sdelay $0x3  }
0x36: {  	p1 =	seq.s32 s10, $0x1;
	s10 =	sld [smem:$0x3FB6];
	_ =	sdelay $0x3  }
0x37: {  	[smem:$0x3FB6] =	sst s10  }
0x38: {  	s10 =	sld [smem:$0x3FB7]  }
0x39: {  	_ = 	snop;
	(pc) =	sbr.ind lr, $3  }
0x3a: {  	_ = 	snop  }
0x3b: {  	_ = 	snop  }
0x3c: {  	p2 =	seq.s32 s10, $0x1;
	s10 =	sld [smem:$0x3FB6]  }
0x3d: {  	_ =	shalt  }
0x3e: {  	_ =	shalt  }
0x3f: {  	_ =	shalt  }
0x40: {  	_ =	shalt  }
0x41: {  	_ =	shalt  }
0x42: {  	_ =	shalt  }
0x43: {  	_ =	shalt  }
0x44: {  	_ =	shalt  }
0x45: {  	_ =	shalt  }
0x46: {  	_ =	shalt  }
0x47: {  	_ =	shalt  }
0x48: {  	_ =	shalt  }
0x49: {  	_ =	shalt  }
0x4a: {  	_ =	shalt  }
0x4b: {  	_ =	shalt  }
0x4c: {  	_ =	shalt  }
0x4d: {  	_ =	shalt  }
0x4e: {  	_ =	shalt  }
0x4f: {  	_ =	shalt  }
0x50: {  	_ =	shalt  }
0x51: {  	_ =	shalt  }
0x52: {  	_ =	shalt  }
0x53: {  	_ =	shalt  }
0x54: {  	_ =	shalt  }
0x55: {  	_ =	shalt  }
0x56: {  	_ =	shalt  }
0x57: {  	_ =	shalt  }
0x58: {  	_ =	shalt  }
0x59: {  	_ =	shalt  }
0x5a: {  	_ =	shalt  }
0x5b: {  	_ =	shalt  }
0x5c: {  	_ =	shalt  }
0x5d: {  	_ =	shalt  }
0x5e: {  	_ =	shalt  }
0x5f: {  	_ =	shalt  }
0x60: {  	_ =	shalt  }
0x61: {  	_ =	shalt  }
0x62: {  	_ =	shalt  }
0x63: {  	_ =	shalt  }
0x64: {  	_ =	shalt  }
0x65: {  	_ =	shalt  }
0x66: {  	_ =	shalt  }
0x67: {  	_ =	shalt  }
0x68: {  	_ =	shalt  }
0x69: {  	_ =	shalt  }
0x6a: {  	_ =	shalt  }
0x6b: {  	_ =	shalt  }
0x6c: {  	_ =	shalt  }
0x6d: {  	_ =	shalt  }
0x6e: {  	_ =	shalt  }
0x6f: {  	_ =	shalt  }
0x70: {  	_ =	shalt  }
0x71: {  	_ =	shalt  }
0x72: {  	_ =	shalt  }
0x73: {  	_ =	shalt  }
0x74: {  	_ =	shalt  }
0x75: {  	_ =	shalt  }
0x76: {  	_ =	shalt  }
0x77: {  	_ =	shalt  }
0x78: {  	_ =	shalt  }
0x79: {  	_ =	shalt  }
0x7a: {  	_ =	shalt  }
0x7b: {  	_ =	shalt  }
0x7c: {  	_ =	shalt  }
0x7d: {  	_ =	shalt  }
0x7e: {  	_ =	shalt  }
0x7f: {  	_ =	shalt  }
0x80: {  	_ =	shalt  }
0x81: {  	_ =	shalt  }
0x82: {  	_ =	shalt  }
0x83: {  	_ =	shalt  }
0x84: {  	_ =	shalt  }
0x85: {  	_ =	shalt  }
0x86: {  	_ =	shalt  }
0x87: {  	_ =	shalt  }
.Lfunc_end0:
.L_simem_size_0:
called_computation_lowered:
.L_overlay_start_0:
0x88: {  	s2 =	sld [smem:$0x3FD9]  }
0x89: {  	s3 =	sld [smem:$0x3FFE];
	_ =	sdelay $0x1  }
0x8a: {  	s1 =	srdreg.scid  }
0x8b: {  	s0 =	sand.u32 $0x1, s1  }
0x8c: {  	s14 =	sshll.u32 s0, $0xA;
	s2 =	sadd.s32 s3, s2  }
0x8d: {  	s2 =	sadd.s32 s2, s14  }
0x8e: {  	[smem:$0x3FC2] =	sst s2  }
0x8f: {  	_ = 	snop  }
0x90: {  	s2 =	sld [smem:$0x3FD0];
	_ =	sdelay $0x2  }
0x91: {  	s4 =	simm.s32 $0xA;
	s5 =	simm.s32 $0x10;
	s15 =	sld [smem:$0x3FC6]  }
0x92: {  	[smem:s5], [sflag:s4] =	dma.local [hbm:s2], $0x1  }
0x93: {  	_ =	swait.eq [sflag:s4], $0x1  }
0x94: {  	[sflag:s4] =	ssyncset.done $0x0  }
0x95: {  	[sflag:s4] =	ssyncadd.s32 $0xFFFFFFFF  }
0x96: {  	s16 =	sld [smem:$0x10];
	(tm) =	ssettm $0x1  }
0x97: {  	s17 =	sld [smem:$0x3FFB];
	_ =	sdelay $0x3  }
0x98: {  	_ =	strace s17  }
0x99: {  	s4 =	sld [smem:$0x3FFC];
	_ =	sdelay $0x3  }
0x9a: {  	_ =	strace s4  }
0x9b: {  	s4 =	sld [smem:$0x3FFD];
	_ =	sdelay $0x3  }
0x9c: {  	_ =	strace s4  }
0x9d: {  	_ =	strace $0x8FFFFFFF  }
0x9e: {  	s18 =	sld [smem:$0x3FDB];
	_ =	sdelay $0x1  }
0x9f: {  	s19 =	simm.s32 $_scs_section_size  }
0xa0: {  	s6 =	simm.s32 $_size__tile_overlayer_lowered;
	s7 =	simm.s32 $_tile_overlayer_lowered  }
0xa1: {  	s22 =	simm.s32 $0x1BFF;
	s21 =	sshll.u32 s7, $0x1;
	s4 =	sadd.s32 s19, s18  }
0xa2: {  	s8 =	simm.s32 $0x0;
	s20 =	sshll.u32 s6, $0x1;
	s6 =	sadd.s32 s21, s4  }
0xa3: {  	[timem:s8], [sflag:s22] =	dma.local [hbm:s6], s20  }
0xa4: {  	_ =	swait.ge [sflag:s22], s20  }
0xa5: {  	s5 =	ssub.s32 $0x0, s20;
	[sflag:s22] =	ssyncset.done $0x0  }
0xa6: {  	[sflag:s22] =	ssyncadd.s32 s5;
	_ =	sdelay $0x1  }
0xa7: {  	s23 =	simm.s32 $0x1B8B  }
0xa8: {  	_ =	swait.ge [sflag:s23], $0x1  }
0xa9: {  	[sflag:s23] =	ssyncset.done $0x0  }
0xaa: {  	s25 =	simm.s32 $0x1B8E;
	s24 =	sld [smem:$0x3FFE];
	[sflag:s23] =	ssyncadd.s32 $0xFFFFFFFF  }
0xab: {  	s26 =	simm.s32 $execute0_lowered;
	[smem:$0x3FD2] =	sst s25  }
0xac: {  	s6 =	sshll.u32 s26, $0x1;
	_ =	strace $0x80000046;
	[dreg:$0x1] =	wrdreg $0xFFFFFFFF  }
0xad: {  	s28 =	simm.s32 $_size_execute0_lowered;
	s4 =	sadd.s32 s4, s6;
	[dreg:$0x0] =	wrdreg $0x0  }
0xae: {  	s6 =	sshll.u32 s28, $0x1;
	[dreg:$0x2] =	wrdreg s4  }
0xaf: {  	[dreg:$0x3] =	wrdreg s6  }
0xb0: {  	[dreg:$0x4] =	wrdreg $0xC0  }
0xb1: {  	_ =	task [dreg:s8], $0x5FFFF  }
0xb2: {  	[dreg:$0x1] =	wrdreg $0xFFFFFFFF  }
0xb3: {  	[dreg:$0x0] =	wrdreg $0x60  }
0xb4: {  	[dreg:$0x2] =	wrdreg s15  }
0xb5: {  	[dreg:$0x3] =	wrdreg s24  }
0xb6: {  	[dreg:$0x4] =	wrdreg s16  }
0xb7: {  	[dreg:$0x5] =	wrdreg $0x9  }
0xb8: {  	_ =	task.clear_ibuf [dreg:s8], $0x6FFFF;
	_ =	strace $0x90000046  }
0xb9: {  	s29 =	simm.s32 $0x9;
	_ =	strace $0x80000048  }
0xba: {  	_ =	swait.ge [sflag:s29], $0x1  }
0xbb: {  	[sflag:s29] =	ssyncadd.s32 $0xFFFFFFFF  }
0xbc: {  	_ =	strace $0x90000048  }
0xbd: {  	_ =	sfence  }
0xbe: {  	s30 =	sld [smem:$0x0];
	_ =	sdelay $0x2  }
0xbf: {  	s31 =	sshll.u32 s1, $0xD;
	s1 =	sshrl.u32 s1, $0x2  }
0xc0: {  	s3 =	sand.u32 $0x4000, s31;
	s1 =	sadd.s32 s1, s30  }
0xc1: {  	s0 =	sor.u32 s3, s0;
	s1 =	sshll.u32 s1, $0x11  }
0xc2: {  	s0 =	sor.u32 s1, s0  }
0xc3: {  	s0 =	sadd.s32 $0x8F2B, s0  }
0xc4: {  	[sflag:s0] =	ssyncadd.remote.s32 $0x1  }
0xc5: {  	_ =	sfence.sel $0xFFFF  }
0xc6: {  	[dreg:$0x0] =	wrdreg $0xFFFFFFFF;
	(pc) =	sbr.abs _section_cstart, $3  }
0xc7: {  	[dreg:$0x1] =	wrdreg $0xFFFFFFFF  }
0xc8: {  	_ =	task.clear_ibuf [dreg:s8], $0x2FFFF;
	_ =	strace $0x9FFFFFFF  }
0xc9: {  	(tm) =	ssettm $0x7FFFFFFF  }
tec
execute0_lowered:
.L_overlay_start_1:
0x0: {  	(tag) =	ssettag $0x1  }
0x1: {  	s1 =	rddreg [dreg:$0x0]  }
0x2: {  	s2 =	srdreg.scid;
	s4 =	rddreg [dreg:$0x1]  }
0x3: {  	s0 =	stileid.u32;
	s5 =	rddreg [dreg:$0x2];
	s17 =	simm.s32 $0x900  }
0x4: {  	s18 =	simm.s32 $0x1100;
	s19 =	simm.s32 $0x1900;
	s20 =	simm.s32 $0x2100  }
0x5: {  	s21 =	simm.s32 $0x2900;
	s22 =	simm.s32 $0x3100;
	s24 =	simm.s32 $0x3900  }
0x6: {  	s25 =	simm.s32 $0x4100;
	s2 =	sand.u32 $0x1, s2;
	s3 =	sshll.u32 s0, $0x1  }
0x7: {  	s26 =	simm.s32 $0x4900;
	s6 =	sor.u32 s2, s3;
	s3 =	simm.s32 $0x0  }
0x8: {  	s9 =	simm.s32 $0x5900;
	s10 =	simm.s32 $0x6100;
	[smem:$0x7FF] =	sst s3  }
0x9: {  	s11 =	simm.s32 $0x6900;
	_ =	strace $0x80000047;
	[dreg:$0x6] =	wrdreg s17  }
0xa: {  	s12 =	simm.s32 $0x7100;
	s13 =	simm.s32 $0x7900;
	[dreg:$0x7] =	wrdreg s18  }
0xb: {  	s14 =	simm.s32 $0x8100;
	s15 =	simm.s32 $0x8900;
	[dreg:$0x8] =	wrdreg s19  }
0xc: {  	s16 =	simm.s32 $0x9100;
	s28 =	simm.s32 $0xE900;
	[dreg:$0x9] =	wrdreg s20  }
0xd: {  	s29 =	simm.s32 $0xF100;
	s30 =	simm.s32 $0xF900;
	[dreg:$0xa] =	wrdreg s21  }
0xe: {  	s31 =	simm.s32 $0x1;
	s2 =	ssub.s32 $0x2, s2;
	[dreg:$0xb] =	wrdreg s22  }
0xf: {  	s7 =	sshll.u32 s6, $0x5;
	s6 =	sshll.u32 s6, $0xD;
	[dreg:$0xc] =	wrdreg s24  }
0x10: {  	s23 =	sshrl.u32 s2, $0x1;
	s4 =	sadd.s32 s7, s4;
	[dreg:$0xd] =	wrdreg s25  }
0x11: {  	s2 =	ssub.s32 s2, s23;
	[dreg:$0xe] =	wrdreg s26;
	s17 =	simm.s32 $0x9900  }
0x12: {  	s18 =	simm.s32 $0xA100;
	s19 =	simm.s32 $0xA900;
	s20 =	simm.s32 $0xB100  }
0x13: {  	s21 =	simm.s32 $0xB900;
	s22 =	simm.s32 $0xC100;
	s23 =	simm.s32 $0xC900  }
0x14: {  	s24 =	simm.s32 $0xD100;
	s25 =	simm.s32 $0xD900;
	s26 =	simm.s32 $0xE100  }
0x15: {  	v2 =	vlaneseq.u32;
	s7 =	sadd.s32 $0x1000, s4;
	s4 =	sadd.s32 s5, s6;
	s6 =	simm.s32 $0x3  }
0x16: {  	vm0 =	vmmov $0xffff;
	v1 =	vshrl.u32 v2, $0x3;
	[dreg:$0x4] =	wrdreg s7;
	s5 =	sadd.s32 $0x1000, s4;
	s7 =	simm.s32 $0x100  }
0x17: {  	v0 =	vand.u32 $0x7, v2;
	v2 =	vor.u32 $0x8, v2;
	v1 =	vmul.u32 $0x8, v1;
	[dreg:$0x5] =	wrdreg s5;
	s5 =	smax.u32 s2, $0x1;
	s2 =	simm.s32 $0x2  }
.LBB2_1:
0x18: {  	s0 =	rddreg [dreg:$0x4]  }
0x19: {  	[tilespmem:s3], [sflag:$0x3] =	stream.linear.gather [hbm4b:s0+s3], $0x100, $0x38;
	[tilespmem:$0x10100] =	vst v63  }
0x1a: {  	_ =	swait.ge [sflag:s6], $0x100  }
0x1b: {  	[sflag:s6] =	ssyncset.done $0x0  }
0x1c: {  	[sflag:s6] =	ssyncadd.s32 $0xFFFFFF00  }
0x1d: {  	v3 =	vld [tilespmem:$0x0];
	_ =	sdelay $0x4  }
0x1e: {  	v4 =	vshll.u32 v3, $0x1  }
0x1f: {  	v3 =	vand.u32 $0x7, v3;
	v4 =	vand.u32 $0xFFFFFFF0, v4  }
0x20: {  	v3 =	vor.u32 v3, v4  }
0x21: {  	v4 =	vperm.xlane v3, v0;
	_ =	sdelay $0x1  }
0x22: {  	v3 =	vperm.xlane v3, v2;
	v4 =	vadd.s32 v1, v4;
	_ =	sdelay $0x1  }
0x23: {  	v3 =	vadd.s32 v1, v3;
	_ =	sdelay $0x2  }
0x24: {  	[tilespmem:s7], [sflag:$0x1] =	stream.indirect_vreg.gather [hbm4b:s1+s3], $0x80, v4, vm0, $0xb8;
	[tilespmem:$0x10100] =	vst v63  }
0x25: {  	s8 =	rddreg [dreg:$0x6]  }
0x26: {  	[tilespmem:s8], [sflag:$0x1] =	stream.indirect_vreg.gather [hbm4b:s1+s3], $0x80, v3, vm0, $0xb8;
	[tilespmem:$0x10100] =	vst v63  }
0x27: {  	v3 =	vld [tilespmem:$0x10];
	_ =	sdelay $0x4  }
0x28: {  	v49 =	vshll.u32 v3, $0x1  }
0x29: {  	v3 =	vand.u32 $0x7, v3;
	v4 =	vand.u32 $0xFFFFFFF0, v49  }
0x2a: {  	v3 =	vor.u32 v3, v4  }
0x2b: {  	v4 =	vperm.xlane v3, v0;
	_ =	sdelay $0x1  }
0x2c: {  	v3 =	vperm.xlane v3, v2;
	v4 =	vadd.s32 v1, v4;
	_ =	sdelay $0x1  }
0x2d: {  	v3 =	vadd.s32 v1, v3;
	_ =	sdelay $0x1  }
0x2e: {  	s0 =	rddreg [dreg:$0x7]  }
0x2f: {  	[tilespmem:s0], [sflag:$0x1] =	stream.indirect_vreg.gather [hbm4b:s1+s3], $0x80, v4, vm0, $0xb8;
	[tilespmem:$0x10100] =	vst v63  }
0x30: {  	s8 =	rddreg [dreg:$0x8]  }
0x31: {  	[tilespmem:s8], [sflag:$0x1] =	stream.indirect_vreg.gather [hbm4b:s1+s3], $0x80, v3, vm0, $0xb8;
	[tilespmem:$0x10100] =	vst v63  }
0x32: {  	v3 =	vld [tilespmem:$0x20];
	_ =	sdelay $0x4  }
0x33: {  	v50 =	vshll.u32 v3, $0x1  }
0x34: {  	v3 =	vand.u32 $0x7, v3;
	v4 =	vand.u32 $0xFFFFFFF0, v50  }
0x35: {  	v3 =	vor.u32 v3, v4  }
0x36: {  	v4 =	vperm.xlane v3, v0;
	_ =	sdelay $0x1  }
0x37: {  	v3 =	vperm.xlane v3, v2;
	v4 =	vadd.s32 v1, v4;
	_ =	sdelay $0x1  }
0x38: {  	v3 =	vadd.s32 v1, v3;
	_ =	sdelay $0x1  }
0x39: {  	s0 =	rddreg [dreg:$0x9]  }
0x3a: {  	[tilespmem:s0], [sflag:$0x1] =	stream.indirect_vreg.gather [hbm4b:s1+s3], $0x80, v4, vm0, $0xb8;
	[tilespmem:$0x10100] =	vst v63  }
0x3b: {  	s8 =	rddreg [dreg:$0xa]  }
0x3c: {  	[tilespmem:s8], [sflag:$0x1] =	stream.indirect_vreg.gather [hbm4b:s1+s3], $0x80, v3, vm0, $0xb8;
	[tilespmem:$0x10100] =	vst v63  }
0x3d: {  	v3 =	vld [tilespmem:$0x30];
	_ =	sdelay $0x4  }
0x3e: {  	v51 =	vshll.u32 v3, $0x1  }
0x3f: {  	v3 =	vand.u32 $0x7, v3;
	v4 =	vand.u32 $0xFFFFFFF0, v51  }
0x40: {  	v3 =	vor.u32 v3, v4  }
0x41: {  	v4 =	vperm.xlane v3, v0;
	_ =	sdelay $0x1  }
0x42: {  	v3 =	vperm.xlane v3, v2;
	v4 =	vadd.s32 v1, v4;
	_ =	sdelay $0x1  }
0x43: {  	v3 =	vadd.s32 v1, v3;
	_ =	sdelay $0x1  }
0x44: {  	s0 =	rddreg [dreg:$0xb]  }
0x45: {  	[tilespmem:s0], [sflag:$0x1] =	stream.indirect_vreg.gather [hbm4b:s1+s3], $0x80, v4, vm0, $0xb8;
	[tilespmem:$0x10100] =	vst v63  }
0x46: {  	s8 =	rddreg [dreg:$0xc]  }
0x47: {  	[tilespmem:s8], [sflag:$0x1] =	stream.indirect_vreg.gather [hbm4b:s1+s3], $0x80, v3, vm0, $0xb8;
	[tilespmem:$0x10100] =	vst v63  }
0x48: {  	v3 =	vld [tilespmem:$0x40];
	_ =	sdelay $0x4  }
0x49: {  	v52 =	vshll.u32 v3, $0x1  }
0x4a: {  	v3 =	vand.u32 $0x7, v3;
	v4 =	vand.u32 $0xFFFFFFF0, v52  }
0x4b: {  	v3 =	vor.u32 v3, v4  }
0x4c: {  	v4 =	vperm.xlane v3, v0;
	_ =	sdelay $0x1  }
0x4d: {  	v3 =	vperm.xlane v3, v2;
	v4 =	vadd.s32 v1, v4;
	_ =	sdelay $0x1  }
0x4e: {  	v3 =	vadd.s32 v1, v3;
	_ =	sdelay $0x1  }
0x4f: {  	s0 =	rddreg [dreg:$0xd]  }
0x50: {  	[tilespmem:s0], [sflag:$0x1] =	stream.indirect_vreg.gather [hbm4b:s1+s3], $0x80, v4, vm0, $0xb8;
	[tilespmem:$0x10100] =	vst v63  }
0x51: {  	s8 =	rddreg [dreg:$0xe]  }
0x52: {  	[tilespmem:s8], [sflag:$0x1] =	stream.indirect_vreg.gather [hbm4b:s1+s3], $0x80, v3, vm0, $0xb8;
	[tilespmem:$0x10100] =	vst v63  }
0x53: {  	v3 =	vld [tilespmem:$0x50];
	_ =	sdelay $0x4  }
0x54: {  	v53 =	vshll.u32 v3, $0x1  }
0x55: {  	v3 =	vand.u32 $0x7, v3;
	v4 =	vand.u32 $0xFFFFFFF0, v53  }
0x56: {  	v3 =	vor.u32 v3, v4  }
0x57: {  	v4 =	vperm.xlane v3, v0;
	_ =	sdelay $0x1  }
0x58: {  	v3 =	vperm.xlane v3, v2;
	v4 =	vadd.s32 v1, v4;
	_ =	sdelay $0x1  }
0x59: {  	v3 =	vadd.s32 v1, v3;
	_ =	sdelay $0x1  }
0x5a: {  	s8 =	simm.s32 $0x5100  }
0x5b: {  	[tilespmem:s8], [sflag:$0x1] =	stream.indirect_vreg.gather [hbm4b:s1+s3], $0x80, v4, vm0, $0xb8;
	[tilespmem:$0x10100] =	vst v63  }
0x5c: {  	_ = 	snop  }
0x5d: {  	[tilespmem:s9], [sflag:$0x1] =	stream.indirect_vreg.gather [hbm4b:s1+s3], $0x80, v3, vm0, $0xb8;
	[tilespmem:$0x10100] =	vst v63  }
0x5e: {  	v3 =	vld [tilespmem:$0x60];
	_ =	sdelay $0x4  }
0x5f: {  	v54 =	vshll.u32 v3, $0x1  }
0x60: {  	v3 =	vand.u32 $0x7, v3;
	v4 =	vand.u32 $0xFFFFFFF0, v54  }
0x61: {  	v3 =	vor.u32 v3, v4  }
0x62: {  	v4 =	vperm.xlane v3, v0;
	_ =	sdelay $0x1  }
0x63: {  	v3 =	vperm.xlane v3, v2;
	v4 =	vadd.s32 v1, v4;
	_ =	sdelay $0x1  }
0x64: {  	v3 =	vadd.s32 v1, v3;
	_ =	sdelay $0x2  }
0x65: {  	[tilespmem:s10], [sflag:$0x1] =	stream.indirect_vreg.gather [hbm4b:s1+s3], $0x80, v4, vm0, $0xb8;
	[tilespmem:$0x10100] =	vst v63  }
0x66: {  	_ = 	snop  }
0x67: {  	[tilespmem:s11], [sflag:$0x1] =	stream.indirect_vreg.gather [hbm4b:s1+s3], $0x80, v3, vm0, $0xb8;
	[tilespmem:$0x10100] =	vst v63  }
0x68: {  	v3 =	vld [tilespmem:$0x70];
	_ =	sdelay $0x4  }
0x69: {  	v55 =	vshll.u32 v3, $0x1  }
0x6a: {  	v3 =	vand.u32 $0x7, v3;
	v4 =	vand.u32 $0xFFFFFFF0, v55  }
0x6b: {  	v3 =	vor.u32 v3, v4  }
0x6c: {  	v4 =	vperm.xlane v3, v0;
	_ =	sdelay $0x1  }
0x6d: {  	v3 =	vperm.xlane v3, v2;
	v4 =	vadd.s32 v1, v4;
	_ =	sdelay $0x1  }
0x6e: {  	v3 =	vadd.s32 v1, v3;
	_ =	sdelay $0x2  }
0x6f: {  	[tilespmem:s12], [sflag:$0x1] =	stream.indirect_vreg.gather [hbm4b:s1+s3], $0x80, v4, vm0, $0xb8;
	[tilespmem:$0x10100] =	vst v63  }
0x70: {  	_ = 	snop  }
0x71: {  	[tilespmem:s13], [sflag:$0x1] =	stream.indirect_vreg.gather [hbm4b:s1+s3], $0x80, v3, vm0, $0xb8;
	[tilespmem:$0x10100] =	vst v63  }
0x72: {  	v3 =	vld [tilespmem:$0x80];
	_ =	sdelay $0x4  }
0x73: {  	v56 =	vshll.u32 v3, $0x1  }
0x74: {  	v3 =	vand.u32 $0x7, v3;
	v4 =	vand.u32 $0xFFFFFFF0, v56  }
0x75: {  	v3 =	vor.u32 v3, v4  }
0x76: {  	v4 =	vperm.xlane v3, v0;
	_ =	sdelay $0x1  }
0x77: {  	v3 =	vperm.xlane v3, v2;
	v4 =	vadd.s32 v1, v4;
	_ =	sdelay $0x1  }
0x78: {  	v3 =	vadd.s32 v1, v3;
	_ =	sdelay $0x2  }
0x79: {  	[tilespmem:s14], [sflag:$0x1] =	stream.indirect_vreg.gather [hbm4b:s1+s3], $0x80, v4, vm0, $0xb8;
	[tilespmem:$0x10100] =	vst v63  }
0x7a: {  	_ = 	snop  }
0x7b: {  	[tilespmem:s15], [sflag:$0x1] =	stream.indirect_vreg.gather [hbm4b:s1+s3], $0x80, v3, vm0, $0xb8;
	[tilespmem:$0x10100] =	vst v63  }
0x7c: {  	v3 =	vld [tilespmem:$0x90];
	_ =	sdelay $0x4  }
0x7d: {  	v57 =	vshll.u32 v3, $0x1  }
0x7e: {  	v3 =	vand.u32 $0x7, v3;
	v4 =	vand.u32 $0xFFFFFFF0, v57  }
0x7f: {  	v3 =	vor.u32 v3, v4  }
0x80: {  	v4 =	vperm.xlane v3, v0;
	_ =	sdelay $0x1  }
0x81: {  	v3 =	vperm.xlane v3, v2;
	v4 =	vadd.s32 v1, v4;
	_ =	sdelay $0x1  }
0x82: {  	v3 =	vadd.s32 v1, v3;
	_ =	sdelay $0x2  }
0x83: {  	[tilespmem:s16], [sflag:$0x1] =	stream.indirect_vreg.gather [hbm4b:s1+s3], $0x80, v4, vm0, $0xb8;
	[tilespmem:$0x10100] =	vst v63  }
0x84: {  	_ = 	snop  }
0x85: {  	[tilespmem:s17], [sflag:$0x1] =	stream.indirect_vreg.gather [hbm4b:s1+s3], $0x80, v3, vm0, $0xb8;
	[tilespmem:$0x10100] =	vst v63  }
0x86: {  	v3 =	vld [tilespmem:$0xA0];
	_ =	sdelay $0x4  }
0x87: {  	v58 =	vshll.u32 v3, $0x1  }
0x88: {  	v3 =	vand.u32 $0x7, v3;
	v4 =	vand.u32 $0xFFFFFFF0, v58  }
0x89: {  	v3 =	vor.u32 v3, v4  }
0x8a: {  	v4 =	vperm.xlane v3, v0;
	_ =	sdelay $0x1  }
0x8b: {  	v3 =	vperm.xlane v3, v2;
	v4 =	vadd.s32 v1, v4;
	_ =	sdelay $0x1  }
0x8c: {  	v3 =	vadd.s32 v1, v3;
	_ =	sdelay $0x2  }
0x8d: {  	[tilespmem:s18], [sflag:$0x1] =	stream.indirect_vreg.gather [hbm4b:s1+s3], $0x80, v4, vm0, $0xb8;
	[tilespmem:$0x10100] =	vst v63  }
0x8e: {  	_ = 	snop  }
0x8f: {  	[tilespmem:s19], [sflag:$0x1] =	stream.indirect_vreg.gather [hbm4b:s1+s3], $0x80, v3, vm0, $0xb8;
	[tilespmem:$0x10100] =	vst v63  }
0x90: {  	v3 =	vld [tilespmem:$0xB0];
	_ =	sdelay $0x4  }
0x91: {  	v59 =	vshll.u32 v3, $0x1  }
0x92: {  	v3 =	vand.u32 $0x7, v3;
	v4 =	vand.u32 $0xFFFFFFF0, v59  }
0x93: {  	v3 =	vor.u32 v3, v4  }
0x94: {  	v4 =	vperm.xlane v3, v0;
	_ =	sdelay $0x1  }
0x95: {  	v3 =	vperm.xlane v3, v2;
	v4 =	vadd.s32 v1, v4;
	_ =	sdelay $0x1  }
0x96: {  	v3 =	vadd.s32 v1, v3;
	_ =	sdelay $0x2  }
0x97: {  	[tilespmem:s20], [sflag:$0x1] =	stream.indirect_vreg.gather [hbm4b:s1+s3], $0x80, v4, vm0, $0xb8;
	[tilespmem:$0x10100] =	vst v63  }
0x98: {  	_ = 	snop  }
0x99: {  	[tilespmem:s21], [sflag:$0x1] =	stream.indirect_vreg.gather [hbm4b:s1+s3], $0x80, v3, vm0, $0xb8;
	[tilespmem:$0x10100] =	vst v63  }
0x9a: {  	v3 =	vld [tilespmem:$0xC0];
	_ =	sdelay $0x4  }
0x9b: {  	v60 =	vshll.u32 v3, $0x1  }
0x9c: {  	v3 =	vand.u32 $0x7, v3;
	v4 =	vand.u32 $0xFFFFFFF0, v60  }
0x9d: {  	v3 =	vor.u32 v3, v4  }
0x9e: {  	v4 =	vperm.xlane v3, v0;
	_ =	sdelay $0x1  }
0x9f: {  	v3 =	vperm.xlane v3, v2;
	v4 =	vadd.s32 v1, v4;
	_ =	sdelay $0x1  }
0xa0: {  	v3 =	vadd.s32 v1, v3;
	_ =	sdelay $0x2  }
0xa1: {  	[tilespmem:s22], [sflag:$0x1] =	stream.indirect_vreg.gather [hbm4b:s1+s3], $0x80, v4, vm0, $0xb8;
	[tilespmem:$0x10100] =	vst v63  }
0xa2: {  	_ = 	snop  }
0xa3: {  	[tilespmem:s23], [sflag:$0x1] =	stream.indirect_vreg.gather [hbm4b:s1+s3], $0x80, v3, vm0, $0xb8;
	[tilespmem:$0x10100] =	vst v63  }
0xa4: {  	v3 =	vld [tilespmem:$0xD0];
	_ =	sdelay $0x4  }
0xa5: {  	v61 =	vshll.u32 v3, $0x1  }
0xa6: {  	v3 =	vand.u32 $0x7, v3;
	v4 =	vand.u32 $0xFFFFFFF0, v61  }
0xa7: {  	v3 =	vor.u32 v3, v4  }
0xa8: {  	v4 =	vperm.xlane v3, v0;
	_ =	sdelay $0x1  }
0xa9: {  	v3 =	vperm.xlane v3, v2;
	v4 =	vadd.s32 v1, v4;
	_ =	sdelay $0x1  }
0xaa: {  	v3 =	vadd.s32 v1, v3;
	_ =	sdelay $0x2  }
0xab: {  	[tilespmem:s24], [sflag:$0x1] =	stream.indirect_vreg.gather [hbm4b:s1+s3], $0x80, v4, vm0, $0xb8;
	[tilespmem:$0x10100] =	vst v63  }
0xac: {  	_ = 	snop  }
0xad: {  	[tilespmem:s25], [sflag:$0x1] =	stream.indirect_vreg.gather [hbm4b:s1+s3], $0x80, v3, vm0, $0xb8;
	[tilespmem:$0x10100] =	vst v63  }
0xae: {  	v3 =	vld [tilespmem:$0xE0];
	_ =	sdelay $0x4  }
0xaf: {  	v62 =	vshll.u32 v3, $0x1  }
0xb0: {  	v3 =	vand.u32 $0x7, v3;
	v4 =	vand.u32 $0xFFFFFFF0, v62  }
0xb1: {  	v3 =	vor.u32 v3, v4  }
0xb2: {  	v4 =	vperm.xlane v3, v0;
	_ =	sdelay $0x1  }
0xb3: {  	v3 =	vperm.xlane v3, v2;
	v4 =	vadd.s32 v1, v4;
	_ =	sdelay $0x1  }
0xb4: {  	v3 =	vadd.s32 v1, v3;
	_ =	sdelay $0x2  }
0xb5: {  	[tilespmem:s26], [sflag:$0x1] =	stream.indirect_vreg.gather [hbm4b:s1+s3], $0x80, v4, vm0, $0xb8;
	[tilespmem:$0x10100] =	vst v63  }
0xb6: {  	_ = 	snop  }
0xb7: {  	[tilespmem:s28], [sflag:$0x1] =	stream.indirect_vreg.gather [hbm4b:s1+s3], $0x80, v3, vm0, $0xb8;
	[tilespmem:$0x10100] =	vst v63  }
0xb8: {  	v3 =	vld [tilespmem:$0xF0];
	_ =	sdelay $0x4  }
0xb9: {  	v63 =	vshll.u32 v3, $0x1  }
0xba: {  	v3 =	vand.u32 $0x7, v3;
	v4 =	vand.u32 $0xFFFFFFF0, v63  }
0xbb: {  	v3 =	vor.u32 v3, v4  }
0xbc: {  	v4 =	vperm.xlane v3, v0;
	_ =	sdelay $0x1  }
0xbd: {  	v3 =	vperm.xlane v3, v2;
	v4 =	vadd.s32 v1, v4;
	_ =	sdelay $0x1  }
0xbe: {  	v3 =	vadd.s32 v1, v3;
	_ =	sdelay $0x2  }
0xbf: {  	[tilespmem:s29], [sflag:$0x1] =	stream.indirect_vreg.gather [hbm4b:s1+s3], $0x80, v4, vm0, $0xb8;
	[tilespmem:$0x10100] =	vst v63  }
0xc0: {  	_ = 	snop  }
0xc1: {  	[tilespmem:s30], [sflag:$0x1] =	stream.indirect_vreg.gather [hbm4b:s1+s3], $0x80, v3, vm0, $0xb8;
	[tilespmem:$0x10100] =	vst v63  }
0xc2: {  	_ =	swait.ge [sflag:s31], $0x8000  }
0xc3: {  	[sflag:s31] =	ssyncset.done $0x0  }
0xc4: {  	[sflag:s31] =	ssyncadd.s32 $0xFFFF8000  }
0xc5: {  	[hbm4b:s4+s3] =	stream.linear.scatter [tilespmem:s7], [sflag:$0x2], $0x8000, $0x38;
	[tilespmem:$0x10100] =	vst v63  }
0xc6: {  	_ =	swait.ge [sflag:s31], $0x8000  }
0xc7: {  	[sflag:s31] =	ssyncset.done $0x0  }
0xc8: {  	s8 =	rddreg [dreg:$0x5];
	[sflag:s31] =	ssyncadd.s32 $0xFFFF8000  }
0xc9: {  	[hbm4b:s8+s3] =	stream.linear.scatter [tilespmem:s14], [sflag:$0x2], $0x8000, $0x38;
	[tilespmem:$0x10100] =	vst v63  }
0xca: {  	p0 =	sne.s32 s5, $0x1;
	_ =	swait.ge [sflag:s2], $0x8000  }
.Ltmp0:
0xcb: {  	[sflag:s2] =	ssyncset.done $0x0;
	(pc) =	sbr.rel @p0 .LBB2_1-.Ltmp0, $4  }
0xcc: {  	[sflag:s2] =	ssyncadd.s32 $0xFFFF8000  }
0xcd: {  	_ =	swait.ge [sflag:s2], $0x8000  }
0xce: {  	[sflag:s2] =	ssyncset.done $0x0  }
0xcf: {  	s5 =	sadd.s32 $0xFFFFFFFF, s5;
	[sflag:s2] =	ssyncadd.s32 $0xFFFF8000  }
0xd0: {  	_ =	sfence.sel $0x180000  }
0xd1: {  	[bflag:$0x0] =	sbarrier.arrive $0xFFFF  }
0xd2: {  	_ =	strace $0x90000047  }
0xd3: {  	s0 =	stileid.u32;
	[bflag:$0x2] =	sbarrier.arrive $0xFFFF  }
0xd4: {  	p0 =	sne.s32 s0, $0x0;
	s0 =	rddreg [dreg:$0x3]  }
0xd5: {  	s0 =	sadd.s32 @!p0 $0x100000, s0  }
0xd6: {  	[sflag:s0] =	ssyncadd.tile.s32 @!p0 $0x1;
	_ =	shalt  }
.Lfunc_end2:
_tile_overlayer_lowered:
.L_overlay_start_2:
0xd7: {  	(tag) =	ssettag $0x2  }
0xd8: {  	s0 =	rddreg [dreg:$0x0];
	s2 =	stileid.u32  }
0xd9: {  	s1 =	rddreg [dreg:$0x1];
	p0 =	sne.s32 s2, $0x0  }
0xda: {  	s3 =	rddreg [dreg:$0x2];
	[bflag:$0x3] =	sbarrier.arrive $0xFFFF;
	s2 =	simm.s32 @!p0 $0x1C03  }
0xdb: {  	[timem:s3], [sflag:s2] =	dma.local @!p0 [hbm:s0], s1  }
0xdc: {  	s0 =	simm.s32 @!p0 $0x3  }
0xdd: {  	_ =	swait.ge @!p0 [sflag:s0], s1  }
0xde: {  	s1 =	ssub.s32 @!p0 $0x0, s1;
	[sflag:s0] =	ssyncset.done @!p0 $0x0  }
0xdf: {  	[sflag:s0] =	ssyncadd.s32 @!p0 s1  }
0xe0: {  	[bflag:$0x3] =	sbarrier.arrive $0xFFFF  }
0xe1: {  	_ =	shalt  }

</sc_bundles>
